<compile_context>
chip_gen: v7x
topology: tpu7x:2x2x1
jax: 0.10.2.dev20260603
libtpu: 0.0.44.dev20260713+nightly
codegen_flags: <defaults>
</compile_context>

<pallas_src>
import functools

import jax
import jax.numpy as jnp
from jax import lax
from jax.experimental import pallas as pl
from jax.experimental.pallas import tpu as pltpu
from jax.experimental.pallas import tpu_sc as plsc

N_NODES = 10000
D = 128
NC = 2
NS = 16
NW = NC * NS
C = 64
NCH = 158
EPW = NCH * C
E_PAD = NW * EPW
DUMMY = N_NODES
ACC_ROWS = 10112
ZR = ACC_ROWS // NS


def _sc_agg_body(h_hbm, src_hbm, dst_hbm, zb_hbm, out_hbm,
                 src_v, dst_v, rows_v, acc, sems):
    cid = lax.axis_index("c")
    sid = lax.axis_index("s")
    wid = sid * NC + cid

    pltpu.sync_copy(zb_hbm, acc.at[pl.ds(sid * ZR, ZR)])
    pltpu.sync_copy(src_hbm.at[wid], src_v)
    pltpu.sync_copy(dst_hbm.at[wid], dst_v)
    plsc.subcore_barrier()

    def chunk(j, carry):
        pltpu.async_copy(h_hbm.at[src_v.at[pl.ds(j * C, C)]],
                         rows_v.at[0], sems.at[0]).wait()
        pltpu.sync_copy(rows_v.at[0],
                        acc.at[dst_v.at[pl.ds(j * C, C)]], add=True)
        return carry

    lax.fori_loop(0, NCH, chunk, 0)
    plsc.subcore_barrier()

    pltpu.sync_copy(acc.at[pl.ds(sid * ZR, ZR)],
                    out_hbm.at[cid, pl.ds(sid * ZR, ZR)])


_sc_agg = functools.partial(
    pl.kernel,
    out_type=jax.ShapeDtypeStruct((NC, ACC_ROWS, D), jnp.float32),
    mesh=plsc.VectorSubcoreMesh(core_axis_name="c", subcore_axis_name="s"),
    scratch_types=[
        pltpu.VMEM(((NCH + 2) * C,), jnp.int32),
        pltpu.VMEM(((NCH + 2) * C,), jnp.int32),
        pltpu.VMEM((1, C, D), jnp.float32),
        pltpu.VMEM_SHARED((ACC_ROWS, D), jnp.float32),
        pltpu.SemaphoreType.DMA((2,)),
    ],
)(_sc_agg_body)


def _tc_layer_body(p_ref, w_ref, b_ref, o_ref):
    agg = p_ref[0] + p_ref[1]
    o_ref[...] = jnp.tanh(
        jnp.dot(agg, w_ref[...], preferred_element_type=jnp.float32)
        + b_ref[...])


def _tc_final_body(p_ref, w_ref, b_ref, wo_ref, bo_ref, o_ref):
    agg = p_ref[0] + p_ref[1]
    h = jnp.tanh(
        jnp.dot(agg, w_ref[...], preferred_element_type=jnp.float32)
        + b_ref[...])
    o_ref[...] = jnp.tanh(
        jnp.dot(h, wo_ref[...], preferred_element_type=jnp.float32)
        + bo_ref[...])


_ROWS_BLK = 1000


def _tc_layer(parts, W, b):
    grid = (N_NODES // _ROWS_BLK,)
    return pl.pallas_call(
        _tc_layer_body,
        grid=grid,
        in_specs=[
            pl.BlockSpec((NC, _ROWS_BLK, D), lambda i: (0, i, 0)),
            pl.BlockSpec((D, D), lambda i: (0, 0)),
            pl.BlockSpec((1, D), lambda i: (0, 0)),
        ],
        out_specs=pl.BlockSpec((_ROWS_BLK, D), lambda i: (i, 0)),
        out_shape=jax.ShapeDtypeStruct((N_NODES, D), jnp.float32),
    )(parts, W, b.reshape(1, D))


def _tc_final(parts, W, b, Wo, bo):
    grid = (N_NODES // _ROWS_BLK,)
    return pl.pallas_call(
        _tc_final_body,
        grid=grid,
        in_specs=[
            pl.BlockSpec((NC, _ROWS_BLK, D), lambda i: (0, i, 0)),
            pl.BlockSpec((D, D), lambda i: (0, 0)),
            pl.BlockSpec((1, D), lambda i: (0, 0)),
            pl.BlockSpec((D, D), lambda i: (0, 0)),
            pl.BlockSpec((1, D), lambda i: (0, 0)),
        ],
        out_specs=pl.BlockSpec((_ROWS_BLK, D), lambda i: (i, 0)),
        out_shape=jax.ShapeDtypeStruct((N_NODES, D), jnp.float32),
    )(parts, W, b.reshape(1, D), Wo, bo.reshape(1, D))


def kernel(x, edge_index, W1, b1, W2, b2, W_out, b_out):
    n_edges = edge_index.shape[1]
    out_classes = W_out.shape[1]
    pad = E_PAD - n_edges
    src = jnp.concatenate(
        [edge_index[0], jnp.zeros((pad,), jnp.int32)]).reshape(NW, NCH, C)
    dst = jnp.concatenate(
        [edge_index[1], jnp.full((pad,), DUMMY, jnp.int32)]).reshape(NW, NCH, C)
    src = jnp.concatenate(
        [src, jnp.zeros((NW, 2, C), jnp.int32)], axis=1).reshape(NW, -1)
    dst = jnp.concatenate(
        [dst, jnp.full((NW, 2, C), DUMMY, jnp.int32)], axis=1).reshape(NW, -1)
    zb = jnp.zeros((ZR, D), jnp.float32)

    p1 = _sc_agg(x, src, dst, zb)
    h1 = _tc_layer(p1, W1, b1)
    p2 = _sc_agg(h1, src, dst, zb)

    Wo = jnp.zeros((D, D), jnp.float32).at[:, :out_classes].set(W_out)
    bo = jnp.zeros((D,), jnp.float32).at[:out_classes].set(b_out)
    out = _tc_final(p2, W2, b2, Wo, bo)
    return out[:, :out_classes]

# --- scband reference (transcript-rebuilt; emitter-appended) ---
"""Pipeline reference for scband-graph-net-9964324127506 (READ-ONLY COPY).

The authoritative reference and input builder live on the scoring server;
editing this copy changes nothing except your own understanding.
"""

import jax, jax.numpy as jnp
import numpy as np

N_NODES = 10000
N_EDGES = 320000
D_FEAT = 128
OUT_CLASSES = 2


def setup_inputs(seed: int = 0) -> dict:
    key = jax.random.key(seed)
    ks = jax.random.split(key, 8)
    x = jax.random.normal(ks[0], (N_NODES, D_FEAT), dtype=jnp.float32)
    edge_index = jax.random.randint(ks[1], (2, N_EDGES), 0, N_NODES, dtype=jnp.int32)
    # learned parameters: two graph-conv layers (D->D) + one resize layer (D->C)
    W1 = jax.random.normal(ks[2], (D_FEAT, D_FEAT), dtype=jnp.float32) * 0.05
    b1 = jnp.zeros((D_FEAT,), dtype=jnp.float32)
    W2 = jax.random.normal(ks[3], (D_FEAT, D_FEAT), dtype=jnp.float32) * 0.05
    b2 = jnp.zeros((D_FEAT,), dtype=jnp.float32)
    W_out = jax.random.normal(ks[4], (D_FEAT, OUT_CLASSES), dtype=jnp.float32) * 0.05
    b_out = jnp.zeros((OUT_CLASSES,), dtype=jnp.float32)
    return {"x": x, "edge_index": edge_index, "W1": W1, "b1": b1, "W2": W2, "b2": b2, "W_out": W_out, "b_out": b_out}


def reference(x, edge_index, W1, b1, W2, b2, W_out, b_out):
    src = edge_index[0]
    dst = edge_index[1]

    def graph_conv(h, W, b):
        # gather messages from source nodes (memory-bound gather)
        msg = jnp.take(h, src, axis=0)
        # scatter-add to destination nodes (memory-bound scatter)
        agg = jax.ops.segment_sum(msg, dst, num_segments=N_NODES)
        # per-node linear transform + bias, tanh activation (per GraphNet.forward self.af)
        return jnp.tanh(agg @ W + b)

    h = graph_conv(x, W1, b1)
    h = graph_conv(h, W2, b2)
    # GraphResizeLayer: dense projection to out_classes, followed by af (tanh)
    out = jnp.tanh(h @ W_out + b_out)
    return out

if __name__ == "__main__":
    import jax
    _d = setup_inputs()
    print(jax.jit(kernel)(*tuple(_d.values())))

</pallas_src>

<mosaic_0001>
#map = affine_map<(d0, d1) -> (0, 0)>
#map1 = affine_map<(d0, d1) -> (0, 0, 0)>
module attributes {stable_mosaic.version = 14 : i64} {
  func.func @_sc_agg_body(%arg0: i32, %arg1: i32, %arg2: memref<10000x128xf32, #tpu.memory_space<hbm>>, %arg3: memref<32x10240xi32, #tpu.memory_space<hbm>>, %arg4: memref<32x10240xi32, #tpu.memory_space<hbm>>, %arg5: memref<632x128xf32, #tpu.memory_space<hbm>>, %arg6: memref<2x10112x128xf32, #tpu.memory_space<hbm>>, %arg7: memref<10240xi32, #tpu.memory_space<vmem>>, %arg8: memref<10240xi32, #tpu.memory_space<vmem>>, %arg9: memref<1x64x128xf32, #tpu.memory_space<vmem>>, %arg10: memref<10112x128xf32, #tpu.memory_space<vmem_shared>>, %arg11: memref<2x!tpu.dma_semaphore, #tpu.memory_space<semaphore_mem>>) attributes {dimension_semantics = [#tpu.dimension_semantics<core_parallel>, #tpu.dimension_semantics<subcore_parallel>], iteration_bounds = array<i64: 2, 16>, scalar_prefetch = 0 : i64, scratch_operands = 5 : i64, tpu.core_type = #tpu.core_type<sc_vector_subcore>, window_params = [{transform_indices = #map}, {transform_indices = #map}, {transform_indices = #map}, {transform_indices = #map}, {transform_indices = #map1}]} {
    %mul3A = arith.constant 2 : i32
    %mul3A_0 = arith.muli %arg1, %mul3A : i32
    %add3A = arith.addi %mul3A_0, %arg0 : i32
    %mul3A_1 = arith.constant 632 : i32
    %mul3A_2 = arith.muli %arg1, %mul3A_1 : i32
    "tpu.region"() ({
      %run_scoped3A = tpu.sem_alloc : memref<!tpu.dma_semaphore, #tpu.memory_space<semaphore_mem>>
      %dma_start3A = arith.constant 0 : i32
      %dma_start3A_13 = tpu.memref_slice %arg10[%mul3A_2, %dma_start3A] : memref<10112x128xf32, #tpu.memory_space<vmem_shared>> -> memref<632x128xf32, #tpu.memory_space<vmem_shared>>
      tpu.enqueue_dma source(%arg5 : memref<632x128xf32, #tpu.memory_space<hbm>>) target(%dma_start3A_13 : memref<632x128xf32, #tpu.memory_space<vmem_shared>>) target_semaphore(%run_scoped3A : memref<!tpu.dma_semaphore, #tpu.memory_space<semaphore_mem>>)
      %dma_wait3A = arith.constant 0 : i32
      %dma_wait3A_14 = tpu.memref_slice %arg10[%mul3A_2, %dma_wait3A] : memref<10112x128xf32, #tpu.memory_space<vmem_shared>> -> memref<632x128xf32, #tpu.memory_space<vmem_shared>>
      tpu.wait_dma2 semaphore(%run_scoped3A : memref<!tpu.dma_semaphore, #tpu.memory_space<semaphore_mem>>) src(%arg5 : memref<632x128xf32, #tpu.memory_space<hbm>>) dst(%dma_wait3A_14 : memref<632x128xf32, #tpu.memory_space<vmem_shared>>)
      tpu.yield
    }) : () -> ()
    "tpu.region"() ({
      %run_scoped3A = tpu.sem_alloc : memref<!tpu.dma_semaphore, #tpu.memory_space<semaphore_mem>>
      %dma_start3A = arith.constant 0 : i32
      %dma_start3A_13 = tpu.memref_slice %arg3[%add3A, %dma_start3A] : memref<32x10240xi32, #tpu.memory_space<hbm>> -> memref<1x10240xi32, #tpu.memory_space<hbm>>
      %dma_start3A_14 = tpu.memref_squeeze %dma_start3A_13 : memref<1x10240xi32, #tpu.memory_space<hbm>> -> memref<10240xi32, #tpu.memory_space<hbm>>
      %dma_start3A_15 = arith.constant 0 : i32
      %dma_start3A_16 = tpu.memref_slice %arg3[%add3A, %dma_start3A_15] : memref<32x10240xi32, #tpu.memory_space<hbm>> -> memref<1x10240xi32, #tpu.memory_space<hbm>>
      %dma_start3A_17 = tpu.memref_squeeze %dma_start3A_16 : memref<1x10240xi32, #tpu.memory_space<hbm>> -> memref<10240xi32, #tpu.memory_space<hbm>>
      tpu.enqueue_dma source(%dma_start3A_17 : memref<10240xi32, #tpu.memory_space<hbm>>) target(%arg7 : memref<10240xi32, #tpu.memory_space<vmem>>) target_semaphore(%run_scoped3A : memref<!tpu.dma_semaphore, #tpu.memory_space<semaphore_mem>>)
      %dma_wait3A = arith.constant 0 : i32
      %dma_wait3A_18 = tpu.memref_slice %arg3[%add3A, %dma_wait3A] : memref<32x10240xi32, #tpu.memory_space<hbm>> -> memref<1x10240xi32, #tpu.memory_space<hbm>>
      %dma_wait3A_19 = tpu.memref_squeeze %dma_wait3A_18 : memref<1x10240xi32, #tpu.memory_space<hbm>> -> memref<10240xi32, #tpu.memory_space<hbm>>
      %dma_wait3A_20 = arith.constant 0 : i32
      %dma_wait3A_21 = tpu.memref_slice %arg3[%add3A, %dma_wait3A_20] : memref<32x10240xi32, #tpu.memory_space<hbm>> -> memref<1x10240xi32, #tpu.memory_space<hbm>>
      %dma_wait3A_22 = tpu.memref_squeeze %dma_wait3A_21 : memref<1x10240xi32, #tpu.memory_space<hbm>> -> memref<10240xi32, #tpu.memory_space<hbm>>
      tpu.wait_dma2 semaphore(%run_scoped3A : memref<!tpu.dma_semaphore, #tpu.memory_space<semaphore_mem>>) src(%dma_wait3A_22 : memref<10240xi32, #tpu.memory_space<hbm>>) dst(%arg7 : memref<10240xi32, #tpu.memory_space<vmem>>)
      tpu.yield
    }) : () -> ()
    "tpu.region"() ({
      %run_scoped3A = tpu.sem_alloc : memref<!tpu.dma_semaphore, #tpu.memory_space<semaphore_mem>>
      %dma_start3A = arith.constant 0 : i32
      %dma_start3A_13 = tpu.memref_slice %arg4[%add3A, %dma_start3A] : memref<32x10240xi32, #tpu.memory_space<hbm>> -> memref<1x10240xi32, #tpu.memory_space<hbm>>
      %dma_start3A_14 = tpu.memref_squeeze %dma_start3A_13 : memref<1x10240xi32, #tpu.memory_space<hbm>> -> memref<10240xi32, #tpu.memory_space<hbm>>
      %dma_start3A_15 = arith.constant 0 : i32
      %dma_start3A_16 = tpu.memref_slice %arg4[%add3A, %dma_start3A_15] : memref<32x10240xi32, #tpu.memory_space<hbm>> -> memref<1x10240xi32, #tpu.memory_space<hbm>>
      %dma_start3A_17 = tpu.memref_squeeze %dma_start3A_16 : memref<1x10240xi32, #tpu.memory_space<hbm>> -> memref<10240xi32, #tpu.memory_space<hbm>>
      tpu.enqueue_dma source(%dma_start3A_17 : memref<10240xi32, #tpu.memory_space<hbm>>) target(%arg8 : memref<10240xi32, #tpu.memory_space<vmem>>) target_semaphore(%run_scoped3A : memref<!tpu.dma_semaphore, #tpu.memory_space<semaphore_mem>>)
      %dma_wait3A = arith.constant 0 : i32
      %dma_wait3A_18 = tpu.memref_slice %arg4[%add3A, %dma_wait3A] : memref<32x10240xi32, #tpu.memory_space<hbm>> -> memref<1x10240xi32, #tpu.memory_space<hbm>>
      %dma_wait3A_19 = tpu.memref_squeeze %dma_wait3A_18 : memref<1x10240xi32, #tpu.memory_space<hbm>> -> memref<10240xi32, #tpu.memory_space<hbm>>
      %dma_wait3A_20 = arith.constant 0 : i32
      %dma_wait3A_21 = tpu.memref_slice %arg4[%add3A, %dma_wait3A_20] : memref<32x10240xi32, #tpu.memory_space<hbm>> -> memref<1x10240xi32, #tpu.memory_space<hbm>>
      %dma_wait3A_22 = tpu.memref_squeeze %dma_wait3A_21 : memref<1x10240xi32, #tpu.memory_space<hbm>> -> memref<10240xi32, #tpu.memory_space<hbm>>
      tpu.wait_dma2 semaphore(%run_scoped3A : memref<!tpu.dma_semaphore, #tpu.memory_space<semaphore_mem>>) src(%dma_wait3A_22 : memref<10240xi32, #tpu.memory_space<hbm>>) dst(%arg8 : memref<10240xi32, #tpu.memory_space<vmem>>)
      tpu.yield
    }) : () -> ()
    %barrier3A = arith.constant 0 : index
    tpu.barrier barrier_id(%barrier3A)
    %scan3A = arith.constant 0 : i32
    %scan3A_3 = arith.constant 0 : i32
    %scan3A_4 = arith.constant 158 : i32
    %scan3A_5 = arith.addi %scan3A_3, %scan3A_4 : i32
    %scan3A_6 = arith.constant 1 : i32
    scf.for %scan3A_13 = %scan3A_3 to %scan3A_5 step %scan3A_6  : i32 {
      %mul3A_14 = arith.constant 64 : i32
      %mul3A_15 = arith.muli %scan3A_13, %mul3A_14 : i32
      %dma_start3A = arith.constant 0 : i32
      %dma_start3A_16 = arith.constant 0 : i32
      %dma_start3A_17 = arith.constant 0 : i32
      %dma_start3A_18 = arith.constant 0 : i32
      %dma_start3A_19 = tpu.memref_slice %arg9[%dma_start3A, %dma_start3A_17, %dma_start3A_18] : memref<1x64x128xf32, #tpu.memory_space<vmem>> -> memref<1x64x128xf32, #tpu.memory_space<vmem>>
      %dma_start3A_20 = tpu.memref_squeeze %dma_start3A_19 : memref<1x64x128xf32, #tpu.memory_space<vmem>> -> memref<64x128xf32, #tpu.memory_space<vmem>>
      %dma_start3A_21 = tpu.memref_slice %arg7[%mul3A_15] : memref<10240xi32, #tpu.memory_space<vmem>> -> memref<64xi32, #tpu.memory_space<vmem>>
      %dma_start3A_22 = arith.constant 0 : i32
      %dma_start3A_23 = arith.constant 0 : i32
      %dma_start3A_24 = tpu.memref_slice %arg2[%dma_start3A_22, %dma_start3A_23] : memref<10000x128xf32, #tpu.memory_space<hbm>> -> memref<10000x128xf32, #tpu.memory_space<hbm>>
      %dma_start3A_25 = tpu.memref_slice %arg11[%dma_start3A_16] : memref<2x!tpu.dma_semaphore, #tpu.memory_space<semaphore_mem>> -> memref<1x!tpu.dma_semaphore, #tpu.memory_space<semaphore_mem>>
      %dma_start3A_26 = tpu.memref_squeeze %dma_start3A_25 : memref<1x!tpu.dma_semaphore, #tpu.memory_space<semaphore_mem>> -> memref<!tpu.dma_semaphore, #tpu.memory_space<semaphore_mem>>
      tpu.enqueue_indirect_dma source(%dma_start3A_24 : memref<10000x128xf32, #tpu.memory_space<hbm>>) target(%dma_start3A_20 : memref<64x128xf32, #tpu.memory_space<vmem>>) offsets(%dma_start3A_21 : memref<64xi32, #tpu.memory_space<vmem>>) semaphore(%dma_start3A_26 : memref<!tpu.dma_semaphore, #tpu.memory_space<semaphore_mem>>)
      %dma_wait3A = arith.constant 0 : i32
      %dma_wait3A_27 = arith.constant 0 : i32
      %dma_wait3A_28 = arith.constant 0 : i32
      %dma_wait3A_29 = arith.constant 0 : i32
      %dma_wait3A_30 = tpu.memref_slice %arg9[%dma_wait3A, %dma_wait3A_28, %dma_wait3A_29] : memref<1x64x128xf32, #tpu.memory_space<vmem>> -> memref<1x64x128xf32, #tpu.memory_space<vmem>>
      %dma_wait3A_31 = tpu.memref_squeeze %dma_wait3A_30 : memref<1x64x128xf32, #tpu.memory_space<vmem>> -> memref<64x128xf32, #tpu.memory_space<vmem>>
      %dma_wait3A_32 = tpu.memref_slice %arg7[%mul3A_15] : memref<10240xi32, #tpu.memory_space<vmem>> -> memref<64xi32, #tpu.memory_space<vmem>>
      %dma_wait3A_33 = arith.constant 0 : i32
      %dma_wait3A_34 = arith.constant 0 : i32
      %dma_wait3A_35 = tpu.memref_slice %arg2[%dma_wait3A_33, %dma_wait3A_34] : memref<10000x128xf32, #tpu.memory_space<hbm>> -> memref<10000x128xf32, #tpu.memory_space<hbm>>
      %dma_wait3A_36 = tpu.memref_slice %arg11[%dma_wait3A_27] : memref<2x!tpu.dma_semaphore, #tpu.memory_space<semaphore_mem>> -> memref<1x!tpu.dma_semaphore, #tpu.memory_space<semaphore_mem>>
      %dma_wait3A_37 = tpu.memref_squeeze %dma_wait3A_36 : memref<1x!tpu.dma_semaphore, #tpu.memory_space<semaphore_mem>> -> memref<!tpu.dma_semaphore, #tpu.memory_space<semaphore_mem>>
      tpu.wait_indirect_dma semaphore(%dma_wait3A_37 : memref<!tpu.dma_semaphore, #tpu.memory_space<semaphore_mem>>) src(%dma_wait3A_35 : memref<10000x128xf32, #tpu.memory_space<hbm>>) dst(%dma_wait3A_31 : memref<64x128xf32, #tpu.memory_space<vmem>>)
      %mul3A_38 = arith.constant 64 : i32
      %mul3A_39 = arith.muli %scan3A_13, %mul3A_38 : i32
      %run_scoped3A = arith.constant 0 : i32
      "tpu.region"() ({
        %run_scoped3A_40 = tpu.sem_alloc : memref<!tpu.dma_semaphore, #tpu.memory_space<semaphore_mem>>
        %dma_start3A_41 = arith.constant 0 : i32
        %dma_start3A_42 = arith.constant 0 : i32
        %dma_start3A_43 = tpu.memref_slice %arg9[%run_scoped3A, %dma_start3A_41, %dma_start3A_42] : memref<1x64x128xf32, #tpu.memory_space<vmem>> -> memref<1x64x128xf32, #tpu.memory_space<vmem>>
        %dma_start3A_44 = tpu.memref_squeeze %dma_start3A_43 : memref<1x64x128xf32, #tpu.memory_space<vmem>> -> memref<64x128xf32, #tpu.memory_space<vmem>>
        %dma_start3A_45 = tpu.memref_slice %arg8[%mul3A_39] : memref<10240xi32, #tpu.memory_space<vmem>> -> memref<64xi32, #tpu.memory_space<vmem>>
        %dma_start3A_46 = arith.constant 0 : i32
        %dma_start3A_47 = arith.constant 0 : i32
        %dma_start3A_48 = tpu.memref_slice %arg10[%dma_start3A_46, %dma_start3A_47] : memref<10112x128xf32, #tpu.memory_space<vmem_shared>> -> memref<10112x128xf32, #tpu.memory_space<vmem_shared>>
        tpu.enqueue_indirect_dma source(%dma_start3A_44 : memref<64x128xf32, #tpu.memory_space<vmem>>) target(%dma_start3A_48 : memref<10112x128xf32, #tpu.memory_space<vmem_shared>>) offsets(%dma_start3A_45 : memref<64xi32, #tpu.memory_space<vmem>>) semaphore(%run_scoped3A_40 : memref<!tpu.dma_semaphore, #tpu.memory_space<semaphore_mem>>) {add = true}
        %dma_wait3A_49 = arith.constant 0 : i32
        %dma_wait3A_50 = arith.constant 0 : i32
        %dma_wait3A_51 = tpu.memref_slice %arg9[%run_scoped3A, %dma_wait3A_49, %dma_wait3A_50] : memref<1x64x128xf32, #tpu.memory_space<vmem>> -> memref<1x64x128xf32, #tpu.memory_space<vmem>>
        %dma_wait3A_52 = tpu.memref_squeeze %dma_wait3A_51 : memref<1x64x128xf32, #tpu.memory_space<vmem>> -> memref<64x128xf32, #tpu.memory_space<vmem>>
        %dma_wait3A_53 = tpu.memref_slice %arg8[%mul3A_39] : memref<10240xi32, #tpu.memory_space<vmem>> -> memref<64xi32, #tpu.memory_space<vmem>>
        %dma_wait3A_54 = arith.constant 0 : i32
        %dma_wait3A_55 = arith.constant 0 : i32
        %dma_wait3A_56 = tpu.memref_slice %arg10[%dma_wait3A_54, %dma_wait3A_55] : memref<10112x128xf32, #tpu.memory_space<vmem_shared>> -> memref<10112x128xf32, #tpu.memory_space<vmem_shared>>
        tpu.wait_indirect_dma semaphore(%run_scoped3A_40 : memref<!tpu.dma_semaphore, #tpu.memory_space<semaphore_mem>>) src(%dma_wait3A_52 : memref<64x128xf32, #tpu.memory_space<vmem>>) dst(%dma_wait3A_56 : memref<10112x128xf32, #tpu.memory_space<vmem_shared>>)
        tpu.yield
      }) : () -> ()
    }
    %scan3A_7 = arith.constant 158 : i32
    %barrier3A_8 = arith.constant 0 : index
    tpu.barrier barrier_id(%barrier3A_8)
    %mul3A_9 = arith.constant 632 : i32
    %mul3A_10 = arith.muli %arg1, %mul3A_9 : i32
    %mul3A_11 = arith.constant 632 : i32
    %mul3A_12 = arith.muli %arg1, %mul3A_11 : i32
    "tpu.region"() ({
      %run_scoped3A = tpu.sem_alloc : memref<!tpu.dma_semaphore, #tpu.memory_space<semaphore_mem>>
      %dma_start3A = arith.constant 0 : i32
      %dma_start3A_13 = tpu.memref_slice %arg6[%arg0, %mul3A_12, %dma_start3A] : memref<2x10112x128xf32, #tpu.memory_space<hbm>> -> memref<1x632x128xf32, #tpu.memory_space<hbm>>
      %dma_start3A_14 = tpu.memref_squeeze %dma_start3A_13 : memref<1x632x128xf32, #tpu.memory_space<hbm>> -> memref<632x128xf32, #tpu.memory_space<hbm>>
      %dma_start3A_15 = arith.constant 0 : i32
      %dma_start3A_16 = tpu.memref_slice %arg10[%mul3A_10, %dma_start3A_15] : memref<10112x128xf32, #tpu.memory_space<vmem_shared>> -> memref<632x128xf32, #tpu.memory_space<vmem_shared>>
      tpu.enqueue_dma source(%dma_start3A_16 : memref<632x128xf32, #tpu.memory_space<vmem_shared>>) target(%dma_start3A_14 : memref<632x128xf32, #tpu.memory_space<hbm>>) target_semaphore(%run_scoped3A : memref<!tpu.dma_semaphore, #tpu.memory_space<semaphore_mem>>)
      %dma_wait3A = arith.constant 0 : i32
      %dma_wait3A_17 = tpu.memref_slice %arg6[%arg0, %mul3A_12, %dma_wait3A] : memref<2x10112x128xf32, #tpu.memory_space<hbm>> -> memref<1x632x128xf32, #tpu.memory_space<hbm>>
      %dma_wait3A_18 = tpu.memref_squeeze %dma_wait3A_17 : memref<1x632x128xf32, #tpu.memory_space<hbm>> -> memref<632x128xf32, #tpu.memory_space<hbm>>
      %dma_wait3A_19 = arith.constant 0 : i32
      %dma_wait3A_20 = tpu.memref_slice %arg10[%mul3A_10, %dma_wait3A_19] : memref<10112x128xf32, #tpu.memory_space<vmem_shared>> -> memref<632x128xf32, #tpu.memory_space<vmem_shared>>
      tpu.wait_dma2 semaphore(%run_scoped3A : memref<!tpu.dma_semaphore, #tpu.memory_space<semaphore_mem>>) src(%dma_wait3A_20 : memref<632x128xf32, #tpu.memory_space<vmem_shared>>) dst(%dma_wait3A_18 : memref<632x128xf32, #tpu.memory_space<hbm>>)
      tpu.yield
    }) : () -> ()
    return
  }
}

#map = affine_map<(d0, d1) -> (0, 0)>
#map1 = affine_map<(d0, d1) -> (0, 0, 0)>
module attributes {stable_mosaic.version = 14 : i64} {
  func.func @_sc_agg_body(%arg0: i32, %arg1: i32, %arg2: memref<10000x128xf32, #tpu.memory_space<hbm>>, %arg3: memref<32x10240xi32, #tpu.memory_space<hbm>>, %arg4: memref<32x10240xi32, #tpu.memory_space<hbm>>, %arg5: memref<632x128xf32, #tpu.memory_space<hbm>>, %arg6: memref<2x10112x128xf32, #tpu.memory_space<hbm>>, %arg7: memref<10240xi32, #tpu.memory_space<vmem>>, %arg8: memref<10240xi32, #tpu.memory_space<vmem>>, %arg9: memref<1x64x128xf32, #tpu.memory_space<vmem>>, %arg10: memref<10112x128xf32, #tpu.memory_space<vmem_shared>>, %arg11: memref<2x!tpu.dma_semaphore, #tpu.memory_space<semaphore_mem>>) attributes {dimension_semantics = [#tpu.dimension_semantics<core_parallel>, #tpu.dimension_semantics<subcore_parallel>], iteration_bounds = array<i64: 2, 16>, scalar_prefetch = 0 : i64, scratch_operands = 5 : i64, tpu.core_type = #tpu.core_type<sc_vector_subcore>, window_params = [{transform_indices = #map}, {transform_indices = #map}, {transform_indices = #map}, {transform_indices = #map}, {transform_indices = #map1}]} {
    %mul3A = arith.constant 2 : i32
    %mul3A_0 = arith.muli %arg1, %mul3A : i32
    %add3A = arith.addi %mul3A_0, %arg0 : i32
    %mul3A_1 = arith.constant 632 : i32
    %mul3A_2 = arith.muli %arg1, %mul3A_1 : i32
    "tpu.region"() ({
      %run_scoped3A = tpu.sem_alloc : memref<!tpu.dma_semaphore, #tpu.memory_space<semaphore_mem>>
      %dma_start3A = arith.constant 0 : i32
      %dma_start3A_13 = tpu.memref_slice %arg10[%mul3A_2, %dma_start3A] : memref<10112x128xf32, #tpu.memory_space<vmem_shared>> -> memref<632x128xf32, #tpu.memory_space<vmem_shared>>
      tpu.enqueue_dma source(%arg5 : memref<632x128xf32, #tpu.memory_space<hbm>>) target(%dma_start3A_13 : memref<632x128xf32, #tpu.memory_space<vmem_shared>>) target_semaphore(%run_scoped3A : memref<!tpu.dma_semaphore, #tpu.memory_space<semaphore_mem>>)
      %dma_wait3A = arith.constant 0 : i32
      %dma_wait3A_14 = tpu.memref_slice %arg10[%mul3A_2, %dma_wait3A] : memref<10112x128xf32, #tpu.memory_space<vmem_shared>> -> memref<632x128xf32, #tpu.memory_space<vmem_shared>>
      tpu.wait_dma2 semaphore(%run_scoped3A : memref<!tpu.dma_semaphore, #tpu.memory_space<semaphore_mem>>) src(%arg5 : memref<632x128xf32, #tpu.memory_space<hbm>>) dst(%dma_wait3A_14 : memref<632x128xf32, #tpu.memory_space<vmem_shared>>)
      tpu.yield
    }) : () -> ()
    "tpu.region"() ({
      %run_scoped3A = tpu.sem_alloc : memref<!tpu.dma_semaphore, #tpu.memory_space<semaphore_mem>>
      %dma_start3A = arith.constant 0 : i32
      %dma_start3A_13 = tpu.memref_slice %arg3[%add3A, %dma_start3A] : memref<32x10240xi32, #tpu.memory_space<hbm>> -> memref<1x10240xi32, #tpu.memory_space<hbm>>
      %dma_start3A_14 = tpu.memref_squeeze %dma_start3A_13 : memref<1x10240xi32, #tpu.memory_space<hbm>> -> memref<10240xi32, #tpu.memory_space<hbm>>
      %dma_start3A_15 = arith.constant 0 : i32
      %dma_start3A_16 = tpu.memref_slice %arg3[%add3A, %dma_start3A_15] : memref<32x10240xi32, #tpu.memory_space<hbm>> -> memref<1x10240xi32, #tpu.memory_space<hbm>>
      %dma_start3A_17 = tpu.memref_squeeze %dma_start3A_16 : memref<1x10240xi32, #tpu.memory_space<hbm>> -> memref<10240xi32, #tpu.memory_space<hbm>>
      tpu.enqueue_dma source(%dma_start3A_17 : memref<10240xi32, #tpu.memory_space<hbm>>) target(%arg7 : memref<10240xi32, #tpu.memory_space<vmem>>) target_semaphore(%run_scoped3A : memref<!tpu.dma_semaphore, #tpu.memory_space<semaphore_mem>>)
      %dma_wait3A = arith.constant 0 : i32
      %dma_wait3A_18 = tpu.memref_slice %arg3[%add3A, %dma_wait3A] : memref<32x10240xi32, #tpu.memory_space<hbm>> -> memref<1x10240xi32, #tpu.memory_space<hbm>>
      %dma_wait3A_19 = tpu.memref_squeeze %dma_wait3A_18 : memref<1x10240xi32, #tpu.memory_space<hbm>> -> memref<10240xi32, #tpu.memory_space<hbm>>
      %dma_wait3A_20 = arith.constant 0 : i32
      %dma_wait3A_21 = tpu.memref_slice %arg3[%add3A, %dma_wait3A_20] : memref<32x10240xi32, #tpu.memory_space<hbm>> -> memref<1x10240xi32, #tpu.memory_space<hbm>>
      %dma_wait3A_22 = tpu.memref_squeeze %dma_wait3A_21 : memref<1x10240xi32, #tpu.memory_space<hbm>> -> memref<10240xi32, #tpu.memory_space<hbm>>
      tpu.wait_dma2 semaphore(%run_scoped3A : memref<!tpu.dma_semaphore, #tpu.memory_space<semaphore_mem>>) src(%dma_wait3A_22 : memref<10240xi32, #tpu.memory_space<hbm>>) dst(%arg7 : memref<10240xi32, #tpu.memory_space<vmem>>)
      tpu.yield
    }) : () -> ()
    "tpu.region"() ({
      %run_scoped3A = tpu.sem_alloc : memref<!tpu.dma_semaphore, #tpu.memory_space<semaphore_mem>>
      %dma_start3A = arith.constant 0 : i32
      %dma_start3A_13 = tpu.memref_slice %arg4[%add3A, %dma_start3A] : memref<32x10240xi32, #tpu.memory_space<hbm>> -> memref<1x10240xi32, #tpu.memory_space<hbm>>
      %dma_start3A_14 = tpu.memref_squeeze %dma_start3A_13 : memref<1x10240xi32, #tpu.memory_space<hbm>> -> memref<10240xi32, #tpu.memory_space<hbm>>
      %dma_start3A_15 = arith.constant 0 : i32
      %dma_start3A_16 = tpu.memref_slice %arg4[%add3A, %dma_start3A_15] : memref<32x10240xi32, #tpu.memory_space<hbm>> -> memref<1x10240xi32, #tpu.memory_space<hbm>>
      %dma_start3A_17 = tpu.memref_squeeze %dma_start3A_16 : memref<1x10240xi32, #tpu.memory_space<hbm>> -> memref<10240xi32, #tpu.memory_space<hbm>>
      tpu.enqueue_dma source(%dma_start3A_17 : memref<10240xi32, #tpu.memory_space<hbm>>) target(%arg8 : memref<10240xi32, #tpu.memory_space<vmem>>) target_semaphore(%run_scoped3A : memref<!tpu.dma_semaphore, #tpu.memory_space<semaphore_mem>>)
      %dma_wait3A = arith.constant 0 : i32
      %dma_wait3A_18 = tpu.memref_slice %arg4[%add3A, %dma_wait3A] : memref<32x10240xi32, #tpu.memory_space<hbm>> -> memref<1x10240xi32, #tpu.memory_space<hbm>>
      %dma_wait3A_19 = tpu.memref_squeeze %dma_wait3A_18 : memref<1x10240xi32, #tpu.memory_space<hbm>> -> memref<10240xi32, #tpu.memory_space<hbm>>
      %dma_wait3A_20 = arith.constant 0 : i32
      %dma_wait3A_21 = tpu.memref_slice %arg4[%add3A, %dma_wait3A_20] : memref<32x10240xi32, #tpu.memory_space<hbm>> -> memref<1x10240xi32, #tpu.memory_space<hbm>>
      %dma_wait3A_22 = tpu.memref_squeeze %dma_wait3A_21 : memref<1x10240xi32, #tpu.memory_space<hbm>> -> memref<10240xi32, #tpu.memory_space<hbm>>
      tpu.wait_dma2 semaphore(%run_scoped3A : memref<!tpu.dma_semaphore, #tpu.memory_space<semaphore_mem>>) src(%dma_wait3A_22 : memref<10240xi32, #tpu.memory_space<hbm>>) dst(%arg8 : memref<10240xi32, #tpu.memory_space<vmem>>)
      tpu.yield
    }) : () -> ()
    %barrier3A = arith.constant 0 : index
    tpu.barrier barrier_id(%barrier3A)
    %scan3A = arith.constant 0 : i32
    %scan3A_3 = arith.constant 0 : i32
    %scan3A_4 = arith.constant 158 : i32
    %scan3A_5 = arith.addi %scan3A_3, %scan3A_4 : i32
    %scan3A_6 = arith.constant 1 : i32
    scf.for %scan3A_13 = %scan3A_3 to %scan3A_5 step %scan3A_6  : i32 {
      %mul3A_14 = arith.constant 64 : i32
      %mul3A_15 = arith.muli %scan3A_13, %mul3A_14 : i32
      %dma_start3A = arith.constant 0 : i32
      %dma_start3A_16 = arith.constant 0 : i32
      %dma_start3A_17 = arith.constant 0 : i32
      %dma_start3A_18 = arith.constant 0 : i32
      %dma_start3A_19 = tpu.memref_slice %arg9[%dma_start3A, %dma_start3A_17, %dma_start3A_18] : memref<1x64x128xf32, #tpu.memory_space<vmem>> -> memref<1x64x128xf32, #tpu.memory_space<vmem>>
      %dma_start3A_20 = tpu.memref_squeeze %dma_start3A_19 : memref<1x64x128xf32, #tpu.memory_space<vmem>> -> memref<64x128xf32, #tpu.memory_space<vmem>>
      %dma_start3A_21 = tpu.memref_slice %arg7[%mul3A_15] : memref<10240xi32, #tpu.memory_space<vmem>> -> memref<64xi32, #tpu.memory_space<vmem>>
      %dma_start3A_22 = arith.constant 0 : i32
      %dma_start3A_23 = arith.constant 0 : i32
      %dma_start3A_24 = tpu.memref_slice %arg2[%dma_start3A_22, %dma_start3A_23] : memref<10000x128xf32, #tpu.memory_space<hbm>> -> memref<10000x128xf32, #tpu.memory_space<hbm>>
      %dma_start3A_25 = tpu.memref_slice %arg11[%dma_start3A_16] : memref<2x!tpu.dma_semaphore, #tpu.memory_space<semaphore_mem>> -> memref<1x!tpu.dma_semaphore, #tpu.memory_space<semaphore_mem>>
      %dma_start3A_26 = tpu.memref_squeeze %dma_start3A_25 : memref<1x!tpu.dma_semaphore, #tpu.memory_space<semaphore_mem>> -> memref<!tpu.dma_semaphore, #tpu.memory_space<semaphore_mem>>
      tpu.enqueue_indirect_dma source(%dma_start3A_24 : memref<10000x128xf32, #tpu.memory_space<hbm>>) target(%dma_start3A_20 : memref<64x128xf32, #tpu.memory_space<vmem>>) offsets(%dma_start3A_21 : memref<64xi32, #tpu.memory_space<vmem>>) semaphore(%dma_start3A_26 : memref<!tpu.dma_semaphore, #tpu.memory_space<semaphore_mem>>)
      %dma_wait3A = arith.constant 0 : i32
      %dma_wait3A_27 = arith.constant 0 : i32
      %dma_wait3A_28 = arith.constant 0 : i32
      %dma_wait3A_29 = arith.constant 0 : i32
      %dma_wait3A_30 = tpu.memref_slice %arg9[%dma_wait3A, %dma_wait3A_28, %dma_wait3A_29] : memref<1x64x128xf32, #tpu.memory_space<vmem>> -> memref<1x64x128xf32, #tpu.memory_space<vmem>>
      %dma_wait3A_31 = tpu.memref_squeeze %dma_wait3A_30 : memref<1x64x128xf32, #tpu.memory_space<vmem>> -> memref<64x128xf32, #tpu.memory_space<vmem>>
      %dma_wait3A_32 = tpu.memref_slice %arg7[%mul3A_15] : memref<10240xi32, #tpu.memory_space<vmem>> -> memref<64xi32, #tpu.memory_space<vmem>>
      %dma_wait3A_33 = arith.constant 0 : i32
      %dma_wait3A_34 = arith.constant 0 : i32
      %dma_wait3A_35 = tpu.memref_slice %arg2[%dma_wait3A_33, %dma_wait3A_34] : memref<10000x128xf32, #tpu.memory_space<hbm>> -> memref<10000x128xf32, #tpu.memory_space<hbm>>
      %dma_wait3A_36 = tpu.memref_slice %arg11[%dma_wait3A_27] : memref<2x!tpu.dma_semaphore, #tpu.memory_space<semaphore_mem>> -> memref<1x!tpu.dma_semaphore, #tpu.memory_space<semaphore_mem>>
      %dma_wait3A_37 = tpu.memref_squeeze %dma_wait3A_36 : memref<1x!tpu.dma_semaphore, #tpu.memory_space<semaphore_mem>> -> memref<!tpu.dma_semaphore, #tpu.memory_space<semaphore_mem>>
      tpu.wait_indirect_dma semaphore(%dma_wait3A_37 : memref<!tpu.dma_semaphore, #tpu.memory_space<semaphore_mem>>) src(%dma_wait3A_35 : memref<10000x128xf32, #tpu.memory_space<hbm>>) dst(%dma_wait3A_31 : memref<64x128xf32, #tpu.memory_space<vmem>>)
      %mul3A_38 = arith.constant 64 : i32
      %mul3A_39 = arith.muli %scan3A_13, %mul3A_38 : i32
      %run_scoped3A = arith.constant 0 : i32
      "tpu.region"() ({
        %run_scoped3A_40 = tpu.sem_alloc : memref<!tpu.dma_semaphore, #tpu.memory_space<semaphore_mem>>
        %dma_start3A_41 = arith.constant 0 : i32
        %dma_start3A_42 = arith.constant 0 : i32
        %dma_start3A_43 = tpu.memref_slice %arg9[%run_scoped3A, %dma_start3A_41, %dma_start3A_42] : memref<1x64x128xf32, #tpu.memory_space<vmem>> -> memref<1x64x128xf32, #tpu.memory_space<vmem>>
        %dma_start3A_44 = tpu.memref_squeeze %dma_start3A_43 : memref<1x64x128xf32, #tpu.memory_space<vmem>> -> memref<64x128xf32, #tpu.memory_space<vmem>>
        %dma_start3A_45 = tpu.memref_slice %arg8[%mul3A_39] : memref<10240xi32, #tpu.memory_space<vmem>> -> memref<64xi32, #tpu.memory_space<vmem>>
        %dma_start3A_46 = arith.constant 0 : i32
        %dma_start3A_47 = arith.constant 0 : i32
        %dma_start3A_48 = tpu.memref_slice %arg10[%dma_start3A_46, %dma_start3A_47] : memref<10112x128xf32, #tpu.memory_space<vmem_shared>> -> memref<10112x128xf32, #tpu.memory_space<vmem_shared>>
        tpu.enqueue_indirect_dma source(%dma_start3A_44 : memref<64x128xf32, #tpu.memory_space<vmem>>) target(%dma_start3A_48 : memref<10112x128xf32, #tpu.memory_space<vmem_shared>>) offsets(%dma_start3A_45 : memref<64xi32, #tpu.memory_space<vmem>>) semaphore(%run_scoped3A_40 : memref<!tpu.dma_semaphore, #tpu.memory_space<semaphore_mem>>) {add = true}
        %dma_wait3A_49 = arith.constant 0 : i32
        %dma_wait3A_50 = arith.constant 0 : i32
        %dma_wait3A_51 = tpu.memref_slice %arg9[%run_scoped3A, %dma_wait3A_49, %dma_wait3A_50] : memref<1x64x128xf32, #tpu.memory_space<vmem>> -> memref<1x64x128xf32, #tpu.memory_space<vmem>>
        %dma_wait3A_52 = tpu.memref_squeeze %dma_wait3A_51 : memref<1x64x128xf32, #tpu.memory_space<vmem>> -> memref<64x128xf32, #tpu.memory_space<vmem>>
        %dma_wait3A_53 = tpu.memref_slice %arg8[%mul3A_39] : memref<10240xi32, #tpu.memory_space<vmem>> -> memref<64xi32, #tpu.memory_space<vmem>>
        %dma_wait3A_54 = arith.constant 0 : i32
        %dma_wait3A_55 = arith.constant 0 : i32
        %dma_wait3A_56 = tpu.memref_slice %arg10[%dma_wait3A_54, %dma_wait3A_55] : memref<10112x128xf32, #tpu.memory_space<vmem_shared>> -> memref<10112x128xf32, #tpu.memory_space<vmem_shared>>
        tpu.wait_indirect_dma semaphore(%run_scoped3A_40 : memref<!tpu.dma_semaphore, #tpu.memory_space<semaphore_mem>>) src(%dma_wait3A_52 : memref<64x128xf32, #tpu.memory_space<vmem>>) dst(%dma_wait3A_56 : memref<10112x128xf32, #tpu.memory_space<vmem_shared>>)
        tpu.yield
      }) : () -> ()
    }
    %scan3A_7 = arith.constant 158 : i32
    %barrier3A_8 = arith.constant 0 : index
    tpu.barrier barrier_id(%barrier3A_8)
    %mul3A_9 = arith.constant 632 : i32
    %mul3A_10 = arith.muli %arg1, %mul3A_9 : i32
    %mul3A_11 = arith.constant 632 : i32
    %mul3A_12 = arith.muli %arg1, %mul3A_11 : i32
    "tpu.region"() ({
      %run_scoped3A = tpu.sem_alloc : memref<!tpu.dma_semaphore, #tpu.memory_space<semaphore_mem>>
      %dma_start3A = arith.constant 0 : i32
      %dma_start3A_13 = tpu.memref_slice %arg6[%arg0, %mul3A_12, %dma_start3A] : memref<2x10112x128xf32, #tpu.memory_space<hbm>> -> memref<1x632x128xf32, #tpu.memory_space<hbm>>
      %dma_start3A_14 = tpu.memref_squeeze %dma_start3A_13 : memref<1x632x128xf32, #tpu.memory_space<hbm>> -> memref<632x128xf32, #tpu.memory_space<hbm>>
      %dma_start3A_15 = arith.constant 0 : i32
      %dma_start3A_16 = tpu.memref_slice %arg10[%mul3A_10, %dma_start3A_15] : memref<10112x128xf32, #tpu.memory_space<vmem_shared>> -> memref<632x128xf32, #tpu.memory_space<vmem_shared>>
      tpu.enqueue_dma source(%dma_start3A_16 : memref<632x128xf32, #tpu.memory_space<vmem_shared>>) target(%dma_start3A_14 : memref<632x128xf32, #tpu.memory_space<hbm>>) target_semaphore(%run_scoped3A : memref<!tpu.dma_semaphore, #tpu.memory_space<semaphore_mem>>)
      %dma_wait3A = arith.constant 0 : i32
      %dma_wait3A_17 = tpu.memref_slice %arg6[%arg0, %mul3A_12, %dma_wait3A] : memref<2x10112x128xf32, #tpu.memory_space<hbm>> -> memref<1x632x128xf32, #tpu.memory_space<hbm>>
      %dma_wait3A_18 = tpu.memref_squeeze %dma_wait3A_17 : memref<1x632x128xf32, #tpu.memory_space<hbm>> -> memref<632x128xf32, #tpu.memory_space<hbm>>
      %dma_wait3A_19 = arith.constant 0 : i32
      %dma_wait3A_20 = tpu.memref_slice %arg10[%mul3A_10, %dma_wait3A_19] : memref<10112x128xf32, #tpu.memory_space<vmem_shared>> -> memref<632x128xf32, #tpu.memory_space<vmem_shared>>
      tpu.wait_dma2 semaphore(%run_scoped3A : memref<!tpu.dma_semaphore, #tpu.memory_space<semaphore_mem>>) src(%dma_wait3A_20 : memref<632x128xf32, #tpu.memory_space<vmem_shared>>) dst(%dma_wait3A_18 : memref<632x128xf32, #tpu.memory_space<hbm>>)
      tpu.yield
    }) : () -> ()
    return
  }
}

module attributes {stable_mosaic.version = 14 : i64} {
  func.func @_tc_layer_body(%arg0: i32, %arg1: memref<2x1000x128xf32, #tpu.memory_space<vmem>>, %arg2: memref<128x128xf32, #tpu.memory_space<vmem>>, %arg3: memref<1x128xf32, #tpu.memory_space<vmem>>, %arg4: memref<1000x128xf32, #tpu.memory_space<vmem>>) attributes {dimension_semantics = [#tpu.dimension_semantics<arbitrary>], iteration_bounds = array<i64: 10>, scalar_prefetch = 0 : i64, scratch_operands = 0 : i64, tpu.core_type = #tpu.core_type<tc>, window_params = [{transform_indices = @transform_0, window_bounds = array<i64: 2, 1000, 128>}, {pipeline_mode = #tpu.pipeline_mode<synchronous>, transform_indices = @transform_1, window_bounds = array<i64: 128, 128>}, {pipeline_mode = #tpu.pipeline_mode<synchronous>, transform_indices = @transform_2, window_bounds = array<i64: 1, 128>}, {transform_indices = @transform_3, window_bounds = array<i64: 1000, 128>}]} {
    %get3A = arith.constant 0 : index
    %get3A_0 = arith.constant 0 : index
    %get3A_1 = arith.constant 0 : index
    %get3A_2 = vector.load %arg1[%get3A, %get3A_0, %get3A_1] : memref<2x1000x128xf32, #tpu.memory_space<vmem>>, vector<1x1000x128xf32>
    %get3A_3 = vector.shape_cast %get3A_2 : vector<1x1000x128xf32> to vector<1000x128xf32>
    %get3A_4 = arith.constant 1 : index
    %get3A_5 = arith.constant 0 : index
    %get3A_6 = arith.constant 0 : index
    %get3A_7 = vector.load %arg1[%get3A_4, %get3A_5, %get3A_6] : memref<2x1000x128xf32, #tpu.memory_space<vmem>>, vector<1x1000x128xf32>
    %get3A_8 = vector.shape_cast %get3A_7 : vector<1x1000x128xf32> to vector<1000x128xf32>
    %add3A = arith.addf %get3A_3, %get3A_8 : vector<1000x128xf32>
    %get3A_9 = arith.constant 0 : index
    %get3A_10 = arith.constant 0 : index
    %get3A_11 = vector.load %arg2[%get3A_9, %get3A_10] : memref<128x128xf32, #tpu.memory_space<vmem>>, vector<128x128xf32>
    %dot_general3A = arith.constant dense<0.000000e+00> : vector<1000x128xf32>
    %dot_general3A_12 = tpu.matmul %add3A, %get3A_11, %dot_general3A {dimension_numbers = #tpu.dot_dimension_numbers<[1], [0], [0], [1], [0, 0, 1, 1], [], []>, transpose_lhs_hint = false} : vector<1000x128xf32>, vector<128x128xf32>, vector<1000x128xf32> -> vector<1000x128xf32>
    %get3A_13 = arith.constant 0 : index
    %get3A_14 = arith.constant 0 : index
    %get3A_15 = vector.load %arg3[%get3A_13, %get3A_14] : memref<1x128xf32, #tpu.memory_space<vmem>>, vector<1x128xf32>
    %add3A_16 = vector.broadcast %get3A_15 : vector<1x128xf32> to vector<1000x128xf32>
    %add3A_17 = arith.addf %dot_general3A_12, %add3A_16 : vector<1000x128xf32>
    %tanh3A = math.tanh %add3A_17 : vector<1000x128xf32>
    %swap3A = arith.constant 0 : index
    %swap3A_18 = arith.constant 0 : index
    %swap3A_19 = vector.load %arg4[%swap3A, %swap3A_18] : memref<1000x128xf32, #tpu.memory_space<vmem>>, vector<1000x128xf32>
    tpu.vector_store %arg4[%swap3A, %swap3A_18], %tanh3A {strides = array<i32>} : memref<1000x128xf32, #tpu.memory_space<vmem>>, vector<1000x128xf32>,
    return
  }
  func.func @transform_0(%arg0: i32) -> (i32, i32, i32) {
    %c0_i32 = arith.constant 0 : i32
    %c0_i32_0 = arith.constant 0 : i32
    %c0_i32_1 = arith.constant 0 : i32
    return %c0_i32, %arg0, %c0_i32_0 : i32, i32, i32
  }
  func.func @transform_1(%arg0: i32) -> (i32, i32) {
    %c0_i32 = arith.constant 0 : i32
    %c0_i32_0 = arith.constant 0 : i32
    %c0_i32_1 = arith.constant 0 : i32
    return %c0_i32, %c0_i32_0 : i32, i32
  }
  func.func @transform_2(%arg0: i32) -> (i32, i32) {
    %c0_i32 = arith.constant 0 : i32
    %c0_i32_0 = arith.constant 0 : i32
    %c0_i32_1 = arith.constant 0 : i32
    return %c0_i32, %c0_i32_0 : i32, i32
  }
  func.func @transform_3(%arg0: i32) -> (i32, i32) {
    %c0_i32 = arith.constant 0 : i32
    %c0_i32_0 = arith.constant 0 : i32
    return %arg0, %c0_i32 : i32, i32
  }
}

module attributes {stable_mosaic.version = 14 : i64} {
  func.func @_tc_final_body(%arg0: i32, %arg1: memref<2x1000x128xf32, #tpu.memory_space<vmem>>, %arg2: memref<128x128xf32, #tpu.memory_space<vmem>>, %arg3: memref<1x128xf32, #tpu.memory_space<vmem>>, %arg4: memref<128x128xf32, #tpu.memory_space<vmem>>, %arg5: memref<1x128xf32, #tpu.memory_space<vmem>>, %arg6: memref<1000x128xf32, #tpu.memory_space<vmem>>) attributes {dimension_semantics = [#tpu.dimension_semantics<arbitrary>], iteration_bounds = array<i64: 10>, scalar_prefetch = 0 : i64, scratch_operands = 0 : i64, tpu.core_type = #tpu.core_type<tc>, window_params = [{transform_indices = @transform_0, window_bounds = array<i64: 2, 1000, 128>}, {pipeline_mode = #tpu.pipeline_mode<synchronous>, transform_indices = @transform_1, window_bounds = array<i64: 128, 128>}, {pipeline_mode = #tpu.pipeline_mode<synchronous>, transform_indices = @transform_2, window_bounds = array<i64: 1, 128>}, {pipeline_mode = #tpu.pipeline_mode<synchronous>, transform_indices = @transform_3, window_bounds = array<i64: 128, 128>}, {pipeline_mode = #tpu.pipeline_mode<synchronous>, transform_indices = @transform_4, window_bounds = array<i64: 1, 128>}, {transform_indices = @transform_5, window_bounds = array<i64: 1000, 128>}]} {
    %get3A = arith.constant 0 : index
    %get3A_0 = arith.constant 0 : index
    %get3A_1 = arith.constant 0 : index
    %get3A_2 = vector.load %arg1[%get3A, %get3A_0, %get3A_1] : memref<2x1000x128xf32, #tpu.memory_space<vmem>>, vector<1x1000x128xf32>
    %get3A_3 = vector.shape_cast %get3A_2 : vector<1x1000x128xf32> to vector<1000x128xf32>
    %get3A_4 = arith.constant 1 : index
    %get3A_5 = arith.constant 0 : index
    %get3A_6 = arith.constant 0 : index
    %get3A_7 = vector.load %arg1[%get3A_4, %get3A_5, %get3A_6] : memref<2x1000x128xf32, #tpu.memory_space<vmem>>, vector<1x1000x128xf32>
    %get3A_8 = vector.shape_cast %get3A_7 : vector<1x1000x128xf32> to vector<1000x128xf32>
    %add3A = arith.addf %get3A_3, %get3A_8 : vector<1000x128xf32>
    %get3A_9 = arith.constant 0 : index
    %get3A_10 = arith.constant 0 : index
    %get3A_11 = vector.load %arg2[%get3A_9, %get3A_10] : memref<128x128xf32, #tpu.memory_space<vmem>>, vector<128x128xf32>
    %dot_general3A = arith.constant dense<0.000000e+00> : vector<1000x128xf32>
    %dot_general3A_12 = tpu.matmul %add3A, %get3A_11, %dot_general3A {dimension_numbers = #tpu.dot_dimension_numbers<[1], [0], [0], [1], [0, 0, 1, 1], [], []>, transpose_lhs_hint = false} : vector<1000x128xf32>, vector<128x128xf32>, vector<1000x128xf32> -> vector<1000x128xf32>
    %get3A_13 = arith.constant 0 : index
    %get3A_14 = arith.constant 0 : index
    %get3A_15 = vector.load %arg3[%get3A_13, %get3A_14] : memref<1x128xf32, #tpu.memory_space<vmem>>, vector<1x128xf32>
    %add3A_16 = vector.broadcast %get3A_15 : vector<1x128xf32> to vector<1000x128xf32>
    %add3A_17 = arith.addf %dot_general3A_12, %add3A_16 : vector<1000x128xf32>
    %tanh3A = math.tanh %add3A_17 : vector<1000x128xf32>
    %get3A_18 = arith.constant 0 : index
    %get3A_19 = arith.constant 0 : index
    %get3A_20 = vector.load %arg4[%get3A_18, %get3A_19] : memref<128x128xf32, #tpu.memory_space<vmem>>, vector<128x128xf32>
    %dot_general3A_21 = arith.constant dense<0.000000e+00> : vector<1000x128xf32>
    %dot_general3A_22 = tpu.matmul %tanh3A, %get3A_20, %dot_general3A_21 {dimension_numbers = #tpu.dot_dimension_numbers<[1], [0], [0], [1], [0, 0, 1, 1], [], []>, transpose_lhs_hint = false} : vector<1000x128xf32>, vector<128x128xf32>, vector<1000x128xf32> -> vector<1000x128xf32>
    %get3A_23 = arith.constant 0 : index
    %get3A_24 = arith.constant 0 : index
    %get3A_25 = vector.load %arg5[%get3A_23, %get3A_24] : memref<1x128xf32, #tpu.memory_space<vmem>>, vector<1x128xf32>
    %add3A_26 = vector.broadcast %get3A_25 : vector<1x128xf32> to vector<1000x128xf32>
    %add3A_27 = arith.addf %dot_general3A_22, %add3A_26 : vector<1000x128xf32>
    %tanh3A_28 = math.tanh %add3A_27 : vector<1000x128xf32>
    %swap3A = arith.constant 0 : index
    %swap3A_29 = arith.constant 0 : index
    %swap3A_30 = vector.load %arg6[%swap3A, %swap3A_29] : memref<1000x128xf32, #tpu.memory_space<vmem>>, vector<1000x128xf32>
    tpu.vector_store %arg6[%swap3A, %swap3A_29], %tanh3A_28 {strides = array<i32>} : memref<1000x128xf32, #tpu.memory_space<vmem>>, vector<1000x128xf32>,
    return
  }
  func.func @transform_0(%arg0: i32) -> (i32, i32, i32) {
    %c0_i32 = arith.constant 0 : i32
    %c0_i32_0 = arith.constant 0 : i32
    %c0_i32_1 = arith.constant 0 : i32
    return %c0_i32, %arg0, %c0_i32_0 : i32, i32, i32
  }
  func.func @transform_1(%arg0: i32) -> (i32, i32) {
    %c0_i32 = arith.constant 0 : i32
    %c0_i32_0 = arith.constant 0 : i32
    %c0_i32_1 = arith.constant 0 : i32
    return %c0_i32, %c0_i32_0 : i32, i32
  }
  func.func @transform_2(%arg0: i32) -> (i32, i32) {
    %c0_i32 = arith.constant 0 : i32
    %c0_i32_0 = arith.constant 0 : i32
    %c0_i32_1 = arith.constant 0 : i32
    return %c0_i32, %c0_i32_0 : i32, i32
  }
  func.func @transform_3(%arg0: i32) -> (i32, i32) {
    %c0_i32 = arith.constant 0 : i32
    %c0_i32_0 = arith.constant 0 : i32
    %c0_i32_1 = arith.constant 0 : i32
    return %c0_i32, %c0_i32_0 : i32, i32
  }
  func.func @transform_4(%arg0: i32) -> (i32, i32) {
    %c0_i32 = arith.constant 0 : i32
    %c0_i32_0 = arith.constant 0 : i32
    %c0_i32_1 = arith.constant 0 : i32
    return %c0_i32, %c0_i32_0 : i32, i32
  }
  func.func @transform_5(%arg0: i32) -> (i32, i32) {
    %c0_i32 = arith.constant 0 : i32
    %c0_i32_0 = arith.constant 0 : i32
    return %arg0, %c0_i32 : i32, i32
  }
}

</mosaic_0001>

<sc_bundles>
// kernel: kernel.6.cloned.1.call-start
scs
__scs_entry_jumppad:
0x0: {  	(pc) =	sbr.rel $0x88, $3  }
0x1: {  	(tag) =	ssettag $0x0;
	lr =	simm.s32 $0x1  }
0x2: {  	[smem:$0x3F99] =	sst lr;
	_ =	strace $0xD0000000  }
0x3: {  	_ = 	snop  }
0x4: {  	_ = 	snop  }
0x5: {  	_ = 	snop  }
0x6: {  	_ = 	snop  }
0x7: {  	_ = 	snop  }
__scs_overlays_trampoline_lowered:
0x8: {  	[smem:$0x3FA8] =	sst s0  }
0x9: {  	[smem:$0x3FA9] =	sst s1  }
0xa: {  	[smem:$0x3FAA] =	sst s2  }
0xb: {  	[smem:$0x3FAB] =	sst s3  }
0xc: {  	[smem:$0x3FAC] =	sst s4  }
0xd: {  	[smem:$0x3FAD] =	sst s5  }
0xe: {  	[smem:$0x3FAE] =	sst s6  }
0xf: {  	[smem:$0x3FAF] =	sst s7  }
0x10: {  	[smem:$0x3FB0] =	sst s8  }
0x11: {  	[smem:$0x3FB1] =	sst s9;
	s0 =	simm.s32 @!p0 $0x0  }
0x12: {  	s1 =	sld [smem:$0x3F97];
	s0 =	simm.s32 @p0 $0x1  }
0x13: {  	[smem:$0x3FB2] =	sst s0;
	s0 =	simm.s32 @!p1 $0x0  }
0x14: {  	s2 =	sld [smem:$0x3F96];
	s0 =	simm.s32 @p1 $0x1  }
0x15: {  	[smem:$0x3FB3] =	sst s0;
	s0 =	simm.s32 @!p2 $0x0  }
0x16: {  	s3 =	sld [smem:$0x3FDB];
	s0 =	simm.s32 @p2 $0x1  }
0x17: {  	s4 =	simm.s32 $0x1BF5;
	[smem:$0x3FB5] =	sst s0  }
0x18: {  	s0 =	sld [smem:$0x3F98];
	_ =	swait.ge [sflag:s4], $0x0  }
0x19: {  	s7 =	sld [smem:$0x3F99]  }
0x1a: {  	s8 =	sadd.s32 $0xFFFFE003, lr  }
0x1b: {  	s9 =	sadd.s32 $0xFFFFFEF7, lr;
	s5 =	simm.s32 $0xFFFFFFFF;
	p2 =	slt.u32 s8, $0xFFFFF086  }
0x1c: {  	p1 =	slt.u32 s9, $0xF7A;
	s5 =	simm.s32 @!p2 $0x0  }
0x1d: {  	s5 =	simm.s32 @p1 $0x1;
	p0 =	seq.s32 s7, s2  }
0x1e: {  	s7 =	smul.u32 @!p0 $0xF7A, s2;
	p2 =	seq.s32 @!p0 s5, $0x0  }
0x1f: {  	s9 =	smul.u32 $0xF7A, s1;
	s8 =	simm.s32 @!p0 $0x1BF5;
	p2 =	por !p2, p0  }
0x20: {  	[sflag:s8] =	ssyncset.s32 @!p0 $0xFFFFF086;
	s6 =	sadd.s32 @!p0 s3, s7;
	s7 =	simm.s32 @!p0 $0x108  }
0x21: {  	s3 =	sadd.s32 s3, s9;
	s6 =	sadd.s32 @!p0 $0x88, s6;
	s7 =	simm.s32 @p2 $0x1082  }
0x22: {  	[simem:s7], [sflag:s8] =	dma.local @!p0 [hbm:s6], $0xF7A  }
0x23: {  	s9 =	sor.u32 $0xD0000000, s2;
	s6 =	simm.s32 $0x108;
	_ =	swait.ge @!p0 [sflag:s8], $0x0  }
0x24: {  	s3 =	sadd.s32 $0x88, s3;
	s6 =	simm.s32 @!p1 $0x1082;
	[sflag:s4] =	ssyncset.s32 $0xFFFFF086  }
0x25: {  	[simem:s6], [sflag:s4] =	dma.local [hbm:s3], $0xF7A  }
0x26: {  	[smem:$0x3F99] =	sst s1;
	(tag) =	ssettag s2;
	_ =	strace s9  }
0x27: {  	s1 =	sld [smem:$0x3FA9]  }
0x28: {  	s2 =	sld [smem:$0x3FAA]  }
0x29: {  	s4 =	sld [smem:$0x3FAC]  }
0x2a: {  	p0 =	seq.s32 s5, $0x0;
	s5 =	sld [smem:$0x3FAD]  }
0x2b: {  	s6 =	sld [smem:$0x3FAE]  }
0x2c: {  	s7 =	sld [smem:$0x3FAF]  }
0x2d: {  	s3 =	simm.s32 $0x108;
	s8 =	sld [smem:$0x3FB0]  }
0x2e: {  	s3 =	simm.s32 @!p0 $0x1082;
	s9 =	sld [smem:$0x3FB1]  }
0x2f: {  	lr =	sadd.s32 s0, s3;
	s0 =	sld [smem:$0x3FA8]  }
0x30: {  	s3 =	sld [smem:$0x3FAB]  }
0x31: {  	[smem:$0x3FB4] =	sst s10  }
0x32: {  	s10 =	sld [smem:$0x3FB2];
	_ =	sdelay $0x3  }
0x33: {  	p0 =	seq.s32 s10, $0x1;
	s10 =	sld [smem:$0x3FB4];
	_ =	sdelay $0x3  }
0x34: {  	[smem:$0x3FB4] =	sst s10  }
0x35: {  	s10 =	sld [smem:$0x3FB3];
	_ =	sdelay $0x3  }
0x36: {  	p1 =	seq.s32 s10, $0x1;
	s10 =	sld [smem:$0x3FB4];
	_ =	sdelay $0x3  }
0x37: {  	[smem:$0x3FB4] =	sst s10  }
0x38: {  	s10 =	sld [smem:$0x3FB5]  }
0x39: {  	_ = 	snop;
	(pc) =	sbr.ind lr, $3  }
0x3a: {  	_ = 	snop  }
0x3b: {  	_ = 	snop  }
0x3c: {  	p2 =	seq.s32 s10, $0x1;
	s10 =	sld [smem:$0x3FB4]  }
0x3d: {  	_ =	shalt  }
0x3e: {  	_ =	shalt  }
0x3f: {  	_ =	shalt  }
0x40: {  	_ =	shalt  }
0x41: {  	_ =	shalt  }
0x42: {  	_ =	shalt  }
0x43: {  	_ =	shalt  }
0x44: {  	_ =	shalt  }
0x45: {  	_ =	shalt  }
0x46: {  	_ =	shalt  }
0x47: {  	_ =	shalt  }
0x48: {  	_ =	shalt  }
0x49: {  	_ =	shalt  }
0x4a: {  	_ =	shalt  }
0x4b: {  	_ =	shalt  }
0x4c: {  	_ =	shalt  }
0x4d: {  	_ =	shalt  }
0x4e: {  	_ =	shalt  }
0x4f: {  	_ =	shalt  }
0x50: {  	_ =	shalt  }
0x51: {  	_ =	shalt  }
0x52: {  	_ =	shalt  }
0x53: {  	_ =	shalt  }
0x54: {  	_ =	shalt  }
0x55: {  	_ =	shalt  }
0x56: {  	_ =	shalt  }
0x57: {  	_ =	shalt  }
0x58: {  	_ =	shalt  }
0x59: {  	_ =	shalt  }
0x5a: {  	_ =	shalt  }
0x5b: {  	_ =	shalt  }
0x5c: {  	_ =	shalt  }
0x5d: {  	_ =	shalt  }
0x5e: {  	_ =	shalt  }
0x5f: {  	_ =	shalt  }
0x60: {  	_ =	shalt  }
0x61: {  	_ =	shalt  }
0x62: {  	_ =	shalt  }
0x63: {  	_ =	shalt  }
0x64: {  	_ =	shalt  }
0x65: {  	_ =	shalt  }
0x66: {  	_ =	shalt  }
0x67: {  	_ =	shalt  }
0x68: {  	_ =	shalt  }
0x69: {  	_ =	shalt  }
0x6a: {  	_ =	shalt  }
0x6b: {  	_ =	shalt  }
0x6c: {  	_ =	shalt  }
0x6d: {  	_ =	shalt  }
0x6e: {  	_ =	shalt  }
0x6f: {  	_ =	shalt  }
0x70: {  	_ =	shalt  }
0x71: {  	_ =	shalt  }
0x72: {  	_ =	shalt  }
0x73: {  	_ =	shalt  }
0x74: {  	_ =	shalt  }
0x75: {  	_ =	shalt  }
0x76: {  	_ =	shalt  }
0x77: {  	_ =	shalt  }
0x78: {  	_ =	shalt  }
0x79: {  	_ =	shalt  }
0x7a: {  	_ =	shalt  }
0x7b: {  	_ =	shalt  }
0x7c: {  	_ =	shalt  }
0x7d: {  	_ =	shalt  }
0x7e: {  	_ =	shalt  }
0x7f: {  	_ =	shalt  }
0x80: {  	_ =	shalt  }
0x81: {  	_ =	shalt  }
0x82: {  	_ =	shalt  }
0x83: {  	_ =	shalt  }
0x84: {  	_ =	shalt  }
0x85: {  	_ =	shalt  }
0x86: {  	_ =	shalt  }
0x87: {  	_ =	shalt  }
.Lfunc_end0:
.L_simem_size_0:
called_computation_lowered:
.L_overlay_start_0:
0x88: {  	s2 =	sld [smem:$0x3FD9]  }
0x89: {  	s3 =	sld [smem:$0x3FFE];
	_ =	sdelay $0x1  }
0x8a: {  	s1 =	srdreg.scid  }
0x8b: {  	s0 =	sand.u32 $0x1, s1  }
0x8c: {  	s17 =	sshll.u32 s0, $0xA;
	s2 =	sadd.s32 s3, s2  }
0x8d: {  	s2 =	sadd.s32 s2, s17  }
0x8e: {  	[smem:$0x3FC0] =	sst s2  }
0x8f: {  	_ = 	snop  }
0x90: {  	s2 =	sld [smem:$0x3FC9];
	(tm) =	ssettm $0x1  }
0x91: {  	s18 =	sld [smem:$0x3FFB];
	_ =	sdelay $0x3  }
0x92: {  	_ =	strace s18  }
0x93: {  	s3 =	sld [smem:$0x3FFC];
	_ =	sdelay $0x3  }
0x94: {  	_ =	strace s3  }
0x95: {  	s3 =	sld [smem:$0x3FFD];
	_ =	sdelay $0x3  }
0x96: {  	_ =	strace s3  }
0x97: {  	_ =	strace $0x8FFFFFFF  }
0x98: {  	s19 =	sld [smem:$0x3FDB];
	_ =	sdelay $0x1  }
0x99: {  	s4 =	simm.s32 $_scs_section_size  }
0x9a: {  	s5 =	simm.s32 $_size__tile_overlayer_lowered;
	s6 =	simm.s32 $_tile_overlayer_lowered  }
0x9b: {  	s22 =	simm.s32 $0x1BFF;
	s21 =	sshll.u32 s6, $0x1;
	s3 =	sadd.s32 s4, s19  }
0x9c: {  	s7 =	simm.s32 $0x0;
	s20 =	sshll.u32 s5, $0x1;
	s5 =	sadd.s32 s21, s3  }
0x9d: {  	[timem:s7], [sflag:s22] =	dma.local [hbm:s5], s20  }
0x9e: {  	_ =	swait.ge [sflag:s22], s20  }
0x9f: {  	s4 =	ssub.s32 $0x0, s20;
	[sflag:s22] =	ssyncset.done $0x0  }
0xa0: {  	[sflag:s22] =	ssyncadd.s32 s4;
	_ =	sdelay $0x1  }
0xa1: {  	s23 =	simm.s32 $0x1B8B  }
0xa2: {  	_ =	swait.ge [sflag:s23], $0x1  }
0xa3: {  	[sflag:s23] =	ssyncset.done $0x0  }
0xa4: {  	s25 =	simm.s32 $0x1B8E;
	s24 =	sld [smem:$0x3FFE];
	[sflag:s23] =	ssyncadd.s32 $0xFFFFFFFF  }
0xa5: {  	s26 =	simm.s32 $execute0_lowered;
	[smem:$0x3FD2] =	sst s25  }
0xa6: {  	s5 =	sshll.u32 s26, $0x1;
	_ =	strace $0x80000046;
	[dreg:$0x1] =	wrdreg $0xFFFFFFFF  }
0xa7: {  	s28 =	simm.s32 $_size_execute0_lowered;
	s3 =	sadd.s32 s3, s5;
	[dreg:$0x0] =	wrdreg $0x0  }
0xa8: {  	s5 =	sshll.u32 s28, $0x1;
	[dreg:$0x2] =	wrdreg s3  }
0xa9: {  	[dreg:$0x3] =	wrdreg s5  }
0xaa: {  	[dreg:$0x4] =	wrdreg $0xC0  }
0xab: {  	_ =	task [dreg:s7], $0x5FFFF  }
0xac: {  	[dreg:$0x1] =	wrdreg $0xFFFFFFFF  }
0xad: {  	[dreg:$0x0] =	wrdreg $0x60  }
0xae: {  	[dreg:$0x2] =	wrdreg s2  }
0xaf: {  	[dreg:$0x3] =	wrdreg s24  }
0xb0: {  	[dreg:$0x4] =	wrdreg $0x70000  }
0xb1: {  	[dreg:$0x5] =	wrdreg $0x9  }
0xb2: {  	_ =	task.clear_ibuf [dreg:s7], $0x6FFFF;
	_ =	strace $0x90000046  }
0xb3: {  	s29 =	simm.s32 $0x9;
	_ =	strace $0x80000048  }
0xb4: {  	_ =	swait.ge [sflag:s29], $0x1  }
0xb5: {  	[sflag:s29] =	ssyncadd.s32 $0xFFFFFFFF  }
0xb6: {  	_ =	strace $0x90000048  }
0xb7: {  	_ =	sfence  }
0xb8: {  	s30 =	sld [smem:$0x0];
	_ =	sdelay $0x2  }
0xb9: {  	s31 =	sshll.u32 s1, $0xD;
	s1 =	sshrl.u32 s1, $0x2  }
0xba: {  	s3 =	sand.u32 $0x4000, s31;
	s1 =	sadd.s32 s1, s30  }
0xbb: {  	s0 =	sor.u32 s3, s0;
	s1 =	sshll.u32 s1, $0x11  }
0xbc: {  	s0 =	sor.u32 s1, s0  }
0xbd: {  	s0 =	sadd.s32 $0x8F2B, s0  }
0xbe: {  	[sflag:s0] =	ssyncadd.remote.s32 $0x1  }
0xbf: {  	_ =	sfence.sel $0xFFFF  }
0xc0: {  	[dreg:$0x0] =	wrdreg $0xFFFFFFFF;
	(pc) =	sbr.abs _section_cstart, $3  }
0xc1: {  	[dreg:$0x1] =	wrdreg $0xFFFFFFFF  }
0xc2: {  	_ =	task.clear_ibuf [dreg:s7], $0x2FFFF;
	_ =	strace $0x9FFFFFFF  }
0xc3: {  	(tm) =	ssettm $0x7FFFFFFF  }
tec
execute0_lowered:
.L_overlay_start_1:
0x0: {  	(tag) =	ssettag $0x1  }
0x1: {  	s1 =	rddreg [dreg:$0x0]  }
0x2: {  	s6 =	rddreg [dreg:$0x1]  }
0x3: {  	s2 =	rddreg [dreg:$0x2];
	s3 =	srdreg.scid  }
0x4: {  	s0 =	stileid.u32;
	s14 =	simm.s32 $0x400;
	s15 =	simm.s32 $0x2800  }
0x5: {  	s16 =	simm.s32 $0x40;
	s17 =	simm.s32 $0x5000;
	s18 =	simm.s32 $0x1  }
0x6: {  	s19 =	simm.s32 $0x0;
	s5 =	sand.u32 $0x1, s3;
	s24 =	smul.u32 $0x13C00, s0  }
0x7: {  	s23 =	sshrl.u32 s0, $0x2;
	s4 =	sshll.u32 s0, $0x8;
	s28 =	smul.u32 $0x4F000, s0  }
0x8: {  	s3 =	rddreg [dreg:$0x3];
	s31 =	sshll.u32 s0, $0x6;
	s7 =	smul.u32 $0x14000, s23  }
0x9: {  	s8 =	sshll.u32 s5, $0x7;
	s4 =	sand.u32 $0x300, s4;
	s9 =	smul.u32 $0x13C000, s5  }
0xa: {  	s26 =	ssub.s32 $0x2, s5;
	s5 =	sadd.s32 $0x14C00, s6;
	s8 =	sor.u32 s8, s4  }
0xb: {  	s4 =	simm.s32 $0x0;
	s29 =	sshrl.u32 s26, $0x1;
	s30 =	sshrl.u32 s28, $0x2  }
0xc: {  	s7 =	sor.u32 s7, s8;
	[smem:$0x7FF] =	sst s4;
	s25 =	sadd.s32 s24, s9  }
0xd: {  	s12 =	ssub.s32 s26, s29;
	s13 =	sadd.s32 s30, s2;
	s7 =	sshrl.u32 s7, $0x3  }
0xe: {  	_ =	strace $0x80000047;
	s10 =	sadd.s32 s7, s6;
	s7 =	sshrl.u32 s25, $0x3  }
0xf: {  	s11 =	sadd.s32 s7, s6;
	s6 =	sor.u32 $0x1C03, s31;
	s7 =	sadd.s32 $0xAC00, s10  }
0x10: {  	s8 =	sadd.s32 $0xC00, s10;
	s10 =	smax.u32 s12, $0x1;
	s12 =	simm.s32 $0x3  }
0x11: {  	s9 =	sadd.s32 $0x17400, s11;
	s11 =	sshrl.u32 s13, $0x3;
	s13 =	simm.s32 $0x80  }
.LBB2_1:
0x12: {  	[spmem:s11], [sflag:s6] =	dma.local [hbm:s5], $0x2780  }
0x13: {  	_ =	swait.ge [sflag:s12], $0x2780  }
0x14: {  	[sflag:s12] =	ssyncset.done $0x0  }
0x15: {  	[sflag:s12] =	ssyncadd.s32 $0xFFFFD880  }
0x16: {  	[tilespmem:s4], [sflag:$0x3] =	stream.strided.gather [hbm4b:s7+s13], $0x2800, s14, s13, $0x38;
	[tilespmem:$0x1AC00] =	vst v63  }
0x17: {  	_ =	swait.ge [sflag:s12], $0x2800  }
0x18: {  	[sflag:s12] =	ssyncset.done $0x0  }
0x19: {  	[sflag:s12] =	ssyncadd.s32 $0xFFFFD800  }
0x1a: {  	[tilespmem:s15], [sflag:$0x3] =	stream.strided.gather [hbm4b:s8+s13], $0x2800, s14, s13, $0x38;
	[tilespmem:$0x1AC00] =	vst v63  }
0x1b: {  	_ =	swait.ge [sflag:s12], $0x2800  }
0x1c: {  	[sflag:s12] =	ssyncset.done $0x0  }
0x1d: {  	[sflag:s12] =	ssyncadd.s32 $0xFFFFD800  }
0x1e: {  	s20 =	simm.s32 $0x0;
	[bflag:$0x0] =	sbarrier.arrive $0xFFFF  }
0x1f: {  	[tilespmem:s17], [sflag:$0x1] =	stream.indirect.gather [hbm4b:s1+s16], $0x80, s20, s16, $0xb8;
	[tilespmem:$0x1AC00] =	vst v63  }
0x20: {  	_ =	swait.ge [sflag:s18], $0x2000  }
0x21: {  	[sflag:s18] =	ssyncset.done $0x0  }
0x22: {  	s31 =	simm.s32 $0x2800;
	[sflag:s18] =	ssyncadd.s32 $0xFFFFE000  }
0x23: {  	[spmem:s2] =	stream.indirect.scatter.add.f32 [tilespmem:s17], [sflag:$0x3], $0x80, s31, s16, $0xb8;
	[tilespmem:$0x1AC00] =	vst v63  }
0x24: {  	_ =	swait.ge [sflag:s12], $0x2000  }
0x25: {  	s21 =	simm.s32 $0x200;
	s20 =	simm.s32 $0x100;
	[sflag:s12] =	ssyncset.done $0x0  }
.LBB2_2:
0x26: {  	s22 =	sshra.s32 s20, $0x2  }
0x27: {  	[sflag:s12] =	ssyncadd.s32 $0xFFFFE000;
	s20 =	smov.u32 s21;
	s23 =	sadd.s32 $0x100, s21  }
0x28: {  	[tilespmem:s17], [sflag:$0x1] =	stream.indirect.gather [hbm4b:s1+s16], $0x80, s22, s16, $0xb8;
	[tilespmem:$0x1AC00] =	vst v63  }
0x29: {  	p0 =	sne.s32 s21, $0x9D00;
	_ =	swait.ge [sflag:s18], $0x2000  }
.Ltmp0:
0x2a: {  	[sflag:s18] =	ssyncset.done $0x0;
	(pc) =	sbr.rel @p0 .LBB2_2-.Ltmp0, $4  }
0x2b: {  	s21 =	sadd.s32 $0x2800, s22;
	[sflag:s18] =	ssyncadd.s32 $0xFFFFE000  }
0x2c: {  	[spmem:s2] =	stream.indirect.scatter.add.f32 [tilespmem:s17], [sflag:$0x3], $0x80, s21, s16, $0xb8;
	[tilespmem:$0x1AC00] =	vst v63  }
0x2d: {  	_ =	swait.ge [sflag:s12], $0x2000  }
0x2e: {  	s21 =	smov.u32 s23;
	[sflag:s12] =	ssyncset.done $0x0  }
0x2f: {  	s20 =	sshra.s32 s20, $0x2;
	[sflag:s12] =	ssyncadd.s32 $0xFFFFE000  }
0x30: {  	[tilespmem:s17], [sflag:$0x1] =	stream.indirect.gather [hbm4b:s1+s16], $0x80, s20, s16, $0xb8;
	[tilespmem:$0x1AC00] =	vst v63  }
0x31: {  	_ =	swait.ge [sflag:s18], $0x2000  }
0x32: {  	[sflag:s18] =	ssyncset.done $0x0  }
0x33: {  	s20 =	sadd.s32 $0x2800, s20;
	[sflag:s18] =	ssyncadd.s32 $0xFFFFE000  }
0x34: {  	[spmem:s2] =	stream.indirect.scatter.add.f32 [tilespmem:s17], [sflag:$0x3], $0x80, s20, s16, $0xb8;
	[tilespmem:$0x1AC00] =	vst v63  }
0x35: {  	_ =	swait.ge [sflag:s12], $0x2000  }
0x36: {  	s19 =	sadd.s32 $0x1, s19;
	[sflag:s12] =	ssyncset.done $0x0  }
0x37: {  	p0 =	sne.s32 s19, s10;
	[sflag:s12] =	ssyncadd.s32 $0xFFFFE000  }
.Ltmp1:
0x38: {  	[bflag:$0x0] =	sbarrier.arrive $0xFFFF;
	(pc) =	sbr.rel @p0 .LBB2_1-.Ltmp1, $4  }
0x39: {  	[hbm:s9], [sflag:s6] =	dma.local [spmem:s11], $0x2780  }
0x3a: {  	_ =	swait.ge [sflag:s12], $0x2780  }
0x3b: {  	[sflag:s12] =	ssyncset.done $0x0  }
0x3c: {  	[sflag:s12] =	ssyncadd.s32 $0xFFFFD880  }
0x3d: {  	_ =	sfence.sel $0x180000  }
0x3e: {  	[bflag:$0x0] =	sbarrier.arrive $0xFFFF  }
0x3f: {  	p0 =	sne.s32 s0, $0x0;
	_ =	strace $0x90000047  }
0x40: {  	s0 =	sadd.s32 @!p0 $0x100000, s3;
	[bflag:$0x2] =	sbarrier.arrive $0xFFFF  }
0x41: {  	[sflag:s0] =	ssyncadd.tile.s32 @!p0 $0x1;
	_ =	shalt  }
.Lfunc_end2:
_tile_overlayer_lowered:
.L_overlay_start_2:
0x42: {  	(tag) =	ssettag $0x2  }
0x43: {  	s0 =	rddreg [dreg:$0x0];
	s2 =	stileid.u32  }
0x44: {  	s1 =	rddreg [dreg:$0x1];
	p0 =	sne.s32 s2, $0x0  }
0x45: {  	s3 =	rddreg [dreg:$0x2];
	[bflag:$0x3] =	sbarrier.arrive $0xFFFF;
	s2 =	simm.s32 @!p0 $0x1C03  }
0x46: {  	[timem:s3], [sflag:s2] =	dma.local @!p0 [hbm:s0], s1  }
0x47: {  	s0 =	simm.s32 @!p0 $0x3  }
0x48: {  	_ =	swait.ge @!p0 [sflag:s0], s1  }
0x49: {  	s1 =	ssub.s32 @!p0 $0x0, s1;
	[sflag:s0] =	ssyncset.done @!p0 $0x0  }
0x4a: {  	[sflag:s0] =	ssyncadd.s32 @!p0 s1  }
0x4b: {  	[bflag:$0x3] =	sbarrier.arrive $0xFFFF  }
0x4c: {  	_ =	shalt  }

// kernel: kernel.9.cloned.1.call-start
scs
__scs_entry_jumppad:
0x0: {  	(pc) =	sbr.rel $0x88, $3  }
0x1: {  	(tag) =	ssettag $0x0;
	lr =	simm.s32 $0x1  }
0x2: {  	[smem:$0x3F99] =	sst lr;
	_ =	strace $0xD0000000  }
0x3: {  	_ = 	snop  }
0x4: {  	_ = 	snop  }
0x5: {  	_ = 	snop  }
0x6: {  	_ = 	snop  }
0x7: {  	_ = 	snop  }
__scs_overlays_trampoline_lowered:
0x8: {  	[smem:$0x3FA8] =	sst s0  }
0x9: {  	[smem:$0x3FA9] =	sst s1  }
0xa: {  	[smem:$0x3FAA] =	sst s2  }
0xb: {  	[smem:$0x3FAB] =	sst s3  }
0xc: {  	[smem:$0x3FAC] =	sst s4  }
0xd: {  	[smem:$0x3FAD] =	sst s5  }
0xe: {  	[smem:$0x3FAE] =	sst s6  }
0xf: {  	[smem:$0x3FAF] =	sst s7  }
0x10: {  	[smem:$0x3FB0] =	sst s8  }
0x11: {  	[smem:$0x3FB1] =	sst s9;
	s0 =	simm.s32 @!p0 $0x0  }
0x12: {  	s1 =	sld [smem:$0x3F97];
	s0 =	simm.s32 @p0 $0x1  }
0x13: {  	[smem:$0x3FB2] =	sst s0;
	s0 =	simm.s32 @!p1 $0x0  }
0x14: {  	s2 =	sld [smem:$0x3F96];
	s0 =	simm.s32 @p1 $0x1  }
0x15: {  	[smem:$0x3FB3] =	sst s0;
	s0 =	simm.s32 @!p2 $0x0  }
0x16: {  	s3 =	sld [smem:$0x3FDB];
	s0 =	simm.s32 @p2 $0x1  }
0x17: {  	s4 =	simm.s32 $0x1BF5;
	[smem:$0x3FB5] =	sst s0  }
0x18: {  	s0 =	sld [smem:$0x3F98];
	_ =	swait.ge [sflag:s4], $0x0  }
0x19: {  	s7 =	sld [smem:$0x3F99]  }
0x1a: {  	s8 =	sadd.s32 $0xFFFFE003, lr  }
0x1b: {  	s9 =	sadd.s32 $0xFFFFFEF7, lr;
	s5 =	simm.s32 $0xFFFFFFFF;
	p2 =	slt.u32 s8, $0xFFFFF086  }
0x1c: {  	p1 =	slt.u32 s9, $0xF7A;
	s5 =	simm.s32 @!p2 $0x0  }
0x1d: {  	s5 =	simm.s32 @p1 $0x1;
	p0 =	seq.s32 s7, s2  }
0x1e: {  	s7 =	smul.u32 @!p0 $0xF7A, s2;
	p2 =	seq.s32 @!p0 s5, $0x0  }
0x1f: {  	s9 =	smul.u32 $0xF7A, s1;
	s8 =	simm.s32 @!p0 $0x1BF5;
	p2 =	por !p2, p0  }
0x20: {  	[sflag:s8] =	ssyncset.s32 @!p0 $0xFFFFF086;
	s6 =	sadd.s32 @!p0 s3, s7;
	s7 =	simm.s32 @!p0 $0x108  }
0x21: {  	s3 =	sadd.s32 s3, s9;
	s6 =	sadd.s32 @!p0 $0x88, s6;
	s7 =	simm.s32 @p2 $0x1082  }
0x22: {  	[simem:s7], [sflag:s8] =	dma.local @!p0 [hbm:s6], $0xF7A  }
0x23: {  	s9 =	sor.u32 $0xD0000000, s2;
	s6 =	simm.s32 $0x108;
	_ =	swait.ge @!p0 [sflag:s8], $0x0  }
0x24: {  	s3 =	sadd.s32 $0x88, s3;
	s6 =	simm.s32 @!p1 $0x1082;
	[sflag:s4] =	ssyncset.s32 $0xFFFFF086  }
0x25: {  	[simem:s6], [sflag:s4] =	dma.local [hbm:s3], $0xF7A  }
0x26: {  	[smem:$0x3F99] =	sst s1;
	(tag) =	ssettag s2;
	_ =	strace s9  }
0x27: {  	s1 =	sld [smem:$0x3FA9]  }
0x28: {  	s2 =	sld [smem:$0x3FAA]  }
0x29: {  	s4 =	sld [smem:$0x3FAC]  }
0x2a: {  	p0 =	seq.s32 s5, $0x0;
	s5 =	sld [smem:$0x3FAD]  }
0x2b: {  	s6 =	sld [smem:$0x3FAE]  }
0x2c: {  	s7 =	sld [smem:$0x3FAF]  }
0x2d: {  	s3 =	simm.s32 $0x108;
	s8 =	sld [smem:$0x3FB0]  }
0x2e: {  	s3 =	simm.s32 @!p0 $0x1082;
	s9 =	sld [smem:$0x3FB1]  }
0x2f: {  	lr =	sadd.s32 s0, s3;
	s0 =	sld [smem:$0x3FA8]  }
0x30: {  	s3 =	sld [smem:$0x3FAB]  }
0x31: {  	[smem:$0x3FB4] =	sst s10  }
0x32: {  	s10 =	sld [smem:$0x3FB2];
	_ =	sdelay $0x3  }
0x33: {  	p0 =	seq.s32 s10, $0x1;
	s10 =	sld [smem:$0x3FB4];
	_ =	sdelay $0x3  }
0x34: {  	[smem:$0x3FB4] =	sst s10  }
0x35: {  	s10 =	sld [smem:$0x3FB3];
	_ =	sdelay $0x3  }
0x36: {  	p1 =	seq.s32 s10, $0x1;
	s10 =	sld [smem:$0x3FB4];
	_ =	sdelay $0x3  }
0x37: {  	[smem:$0x3FB4] =	sst s10  }
0x38: {  	s10 =	sld [smem:$0x3FB5]  }
0x39: {  	_ = 	snop;
	(pc) =	sbr.ind lr, $3  }
0x3a: {  	_ = 	snop  }
0x3b: {  	_ = 	snop  }
0x3c: {  	p2 =	seq.s32 s10, $0x1;
	s10 =	sld [smem:$0x3FB4]  }
0x3d: {  	_ =	shalt  }
0x3e: {  	_ =	shalt  }
0x3f: {  	_ =	shalt  }
0x40: {  	_ =	shalt  }
0x41: {  	_ =	shalt  }
0x42: {  	_ =	shalt  }
0x43: {  	_ =	shalt  }
0x44: {  	_ =	shalt  }
0x45: {  	_ =	shalt  }
0x46: {  	_ =	shalt  }
0x47: {  	_ =	shalt  }
0x48: {  	_ =	shalt  }
0x49: {  	_ =	shalt  }
0x4a: {  	_ =	shalt  }
0x4b: {  	_ =	shalt  }
0x4c: {  	_ =	shalt  }
0x4d: {  	_ =	shalt  }
0x4e: {  	_ =	shalt  }
0x4f: {  	_ =	shalt  }
0x50: {  	_ =	shalt  }
0x51: {  	_ =	shalt  }
0x52: {  	_ =	shalt  }
0x53: {  	_ =	shalt  }
0x54: {  	_ =	shalt  }
0x55: {  	_ =	shalt  }
0x56: {  	_ =	shalt  }
0x57: {  	_ =	shalt  }
0x58: {  	_ =	shalt  }
0x59: {  	_ =	shalt  }
0x5a: {  	_ =	shalt  }
0x5b: {  	_ =	shalt  }
0x5c: {  	_ =	shalt  }
0x5d: {  	_ =	shalt  }
0x5e: {  	_ =	shalt  }
0x5f: {  	_ =	shalt  }
0x60: {  	_ =	shalt  }
0x61: {  	_ =	shalt  }
0x62: {  	_ =	shalt  }
0x63: {  	_ =	shalt  }
0x64: {  	_ =	shalt  }
0x65: {  	_ =	shalt  }
0x66: {  	_ =	shalt  }
0x67: {  	_ =	shalt  }
0x68: {  	_ =	shalt  }
0x69: {  	_ =	shalt  }
0x6a: {  	_ =	shalt  }
0x6b: {  	_ =	shalt  }
0x6c: {  	_ =	shalt  }
0x6d: {  	_ =	shalt  }
0x6e: {  	_ =	shalt  }
0x6f: {  	_ =	shalt  }
0x70: {  	_ =	shalt  }
0x71: {  	_ =	shalt  }
0x72: {  	_ =	shalt  }
0x73: {  	_ =	shalt  }
0x74: {  	_ =	shalt  }
0x75: {  	_ =	shalt  }
0x76: {  	_ =	shalt  }
0x77: {  	_ =	shalt  }
0x78: {  	_ =	shalt  }
0x79: {  	_ =	shalt  }
0x7a: {  	_ =	shalt  }
0x7b: {  	_ =	shalt  }
0x7c: {  	_ =	shalt  }
0x7d: {  	_ =	shalt  }
0x7e: {  	_ =	shalt  }
0x7f: {  	_ =	shalt  }
0x80: {  	_ =	shalt  }
0x81: {  	_ =	shalt  }
0x82: {  	_ =	shalt  }
0x83: {  	_ =	shalt  }
0x84: {  	_ =	shalt  }
0x85: {  	_ =	shalt  }
0x86: {  	_ =	shalt  }
0x87: {  	_ =	shalt  }
.Lfunc_end0:
.L_simem_size_0:
called_computation.1_lowered:
.L_overlay_start_0:
0x88: {  	s2 =	sld [smem:$0x3FD9]  }
0x89: {  	s3 =	sld [smem:$0x3FFE];
	_ =	sdelay $0x1  }
0x8a: {  	s1 =	srdreg.scid  }
0x8b: {  	s0 =	sand.u32 $0x1, s1  }
0x8c: {  	s16 =	sshll.u32 s0, $0xA;
	s2 =	sadd.s32 s3, s2  }
0x8d: {  	s2 =	sadd.s32 s2, s16  }
0x8e: {  	[smem:$0x3FC0] =	sst s2  }
0x8f: {  	_ = 	snop  }
0x90: {  	(tm) =	ssettm $0x1  }
0x91: {  	s17 =	sld [smem:$0x3FFB];
	_ =	sdelay $0x3  }
0x92: {  	_ =	strace s17  }
0x93: {  	s2 =	sld [smem:$0x3FFC];
	_ =	sdelay $0x3  }
0x94: {  	_ =	strace s2  }
0x95: {  	s2 =	sld [smem:$0x3FFD];
	_ =	sdelay $0x3  }
0x96: {  	_ =	strace s2  }
0x97: {  	_ =	strace $0x8FFFFFFF  }
0x98: {  	s18 =	sld [smem:$0x3FDB];
	_ =	sdelay $0x1  }
0x99: {  	s19 =	simm.s32 $_scs_section_size  }
0x9a: {  	s4 =	simm.s32 $_size__tile_overlayer_lowered;
	s5 =	simm.s32 $_tile_overlayer_lowered  }
0x9b: {  	s22 =	simm.s32 $0x1BFF;
	s21 =	sshll.u32 s5, $0x1;
	s2 =	sadd.s32 s19, s18  }
0x9c: {  	s6 =	simm.s32 $0x0;
	s20 =	sshll.u32 s4, $0x1;
	s4 =	sadd.s32 s21, s2  }
0x9d: {  	[timem:s6], [sflag:s22] =	dma.local [hbm:s4], s20  }
0x9e: {  	_ =	swait.ge [sflag:s22], s20  }
0x9f: {  	s3 =	ssub.s32 $0x0, s20;
	[sflag:s22] =	ssyncset.done $0x0  }
0xa0: {  	[sflag:s22] =	ssyncadd.s32 s3;
	_ =	sdelay $0x1  }
0xa1: {  	s23 =	simm.s32 $0x1B8B  }
0xa2: {  	_ =	swait.ge [sflag:s23], $0x1  }
0xa3: {  	[sflag:s23] =	ssyncset.done $0x0  }
0xa4: {  	s25 =	simm.s32 $0x1B8E;
	s24 =	sld [smem:$0x3FFE];
	[sflag:s23] =	ssyncadd.s32 $0xFFFFFFFF  }
0xa5: {  	s26 =	simm.s32 $execute0_lowered;
	[smem:$0x3FD2] =	sst s25  }
0xa6: {  	s4 =	sshll.u32 s26, $0x1;
	_ =	strace $0x80000049;
	[dreg:$0x1] =	wrdreg $0xFFFFFFFF  }
0xa7: {  	s28 =	simm.s32 $_size_execute0_lowered;
	s2 =	sadd.s32 s2, s4;
	[dreg:$0x0] =	wrdreg $0x0  }
0xa8: {  	s4 =	sshll.u32 s28, $0x1;
	[dreg:$0x2] =	wrdreg s2  }
0xa9: {  	[dreg:$0x3] =	wrdreg s4  }
0xaa: {  	[dreg:$0x4] =	wrdreg $0xC0  }
0xab: {  	_ =	task [dreg:s6], $0x5FFFF  }
0xac: {  	[dreg:$0x1] =	wrdreg $0xFFFFFFFF  }
0xad: {  	[dreg:$0x0] =	wrdreg $0x60  }
0xae: {  	[dreg:$0x2] =	wrdreg s24  }
0xaf: {  	[dreg:$0x3] =	wrdreg $0x70000  }
0xb0: {  	[dreg:$0x4] =	wrdreg $0x9  }
0xb1: {  	_ =	task.clear_ibuf [dreg:s6], $0x5FFFF;
	_ =	strace $0x90000049  }
0xb2: {  	s29 =	simm.s32 $0x9;
	_ =	strace $0x8000004B  }
0xb3: {  	_ =	swait.ge [sflag:s29], $0x1  }
0xb4: {  	[sflag:s29] =	ssyncadd.s32 $0xFFFFFFFF  }
0xb5: {  	_ =	strace $0x9000004B  }
0xb6: {  	_ =	sfence  }
0xb7: {  	s30 =	sld [smem:$0x0];
	_ =	sdelay $0x2  }
0xb8: {  	s31 =	sshll.u32 s1, $0xD;
	s1 =	sshrl.u32 s1, $0x2  }
0xb9: {  	s3 =	sand.u32 $0x4000, s31;
	s1 =	sadd.s32 s1, s30  }
0xba: {  	s0 =	sor.u32 s3, s0;
	s1 =	sshll.u32 s1, $0x11  }
0xbb: {  	s0 =	sor.u32 s1, s0  }
0xbc: {  	s0 =	sadd.s32 $0x8F2B, s0  }
0xbd: {  	[sflag:s0] =	ssyncadd.remote.s32 $0x1  }
0xbe: {  	_ =	sfence.sel $0xFFFF  }
0xbf: {  	[dreg:$0x0] =	wrdreg $0xFFFFFFFF;
	(pc) =	sbr.abs _section_cstart, $3  }
0xc0: {  	[dreg:$0x1] =	wrdreg $0xFFFFFFFF  }
0xc1: {  	_ =	task.clear_ibuf [dreg:s6], $0x2FFFF;
	_ =	strace $0x9FFFFFFF  }
0xc2: {  	(tm) =	ssettm $0x7FFFFFFF  }
0xc3: {  	_ =	shalt  }
tec
execute0_lowered:
.L_overlay_start_1:
0x0: {  	(tag) =	ssettag $0x1  }
0x1: {  	s6 =	rddreg [dreg:$0x0]  }
0x2: {  	s2 =	rddreg [dreg:$0x1]  }
0x3: {  	s0 =	rddreg [dreg:$0x2];
	s3 =	srdreg.scid  }
0x4: {  	s1 =	stileid.u32;
	s14 =	simm.s32 $0x400;
	s15 =	simm.s32 $0x2800  }
0x5: {  	s16 =	simm.s32 $0x40;
	s17 =	simm.s32 $0x5000;
	s18 =	simm.s32 $0x1  }
0x6: {  	s19 =	simm.s32 $0x0;
	s5 =	sand.u32 $0x1, s3;
	s26 =	smul.u32 $0x13C00, s1  }
0x7: {  	s24 =	sshrl.u32 s1, $0x2;
	s4 =	sshll.u32 s1, $0x8;
	s10 =	smul.u32 $0x4F000, s1  }
0x8: {  	s3 =	simm.s32 $0x0;
	s31 =	sshll.u32 s1, $0x6;
	s7 =	smul.u32 $0x14000, s24  }
0x9: {  	s8 =	sshll.u32 s5, $0x7;
	s4 =	sand.u32 $0x300, s4;
	s25 =	smul.u32 $0x13C000, s5  }
0xa: {  	[smem:$0x7FF] =	sst s3;
	s28 =	ssub.s32 $0x2, s5;
	s5 =	sadd.s32 $0x14C00, s6  }
0xb: {  	s4 =	sor.u32 s8, s4;
	_ =	strace $0x8000004A;
	s29 =	sshrl.u32 s28, $0x1  }
0xc: {  	s30 =	sshrl.u32 s10, $0x2;
	s4 =	sor.u32 s7, s4;
	s7 =	sadd.s32 s26, s25  }
0xd: {  	s12 =	ssub.s32 s28, s29;
	s13 =	sadd.s32 s30, s2;
	s9 =	sshrl.u32 s4, $0x3  }
0xe: {  	s4 =	sadd.s32 $0x17400, s6;
	s7 =	sshrl.u32 s7, $0x3;
	s10 =	smax.u32 s12, $0x1  }
0xf: {  	s12 =	simm.s32 $0x3;
	s9 =	sadd.s32 s9, s6;
	s11 =	sadd.s32 s7, s6  }
0x10: {  	s6 =	sor.u32 $0x1C03, s31;
	s7 =	sadd.s32 $0xAC00, s9;
	s8 =	sadd.s32 $0xC00, s9  }
0x11: {  	s9 =	sadd.s32 $0x3E600, s11;
	s11 =	sshrl.u32 s13, $0x3;
	s13 =	simm.s32 $0x80  }
.LBB2_1:
0x12: {  	[spmem:s11], [sflag:s6] =	dma.local [hbm:s5], $0x2780  }
0x13: {  	_ =	swait.ge [sflag:s12], $0x2780  }
0x14: {  	[sflag:s12] =	ssyncset.done $0x0  }
0x15: {  	[sflag:s12] =	ssyncadd.s32 $0xFFFFD880  }
0x16: {  	[tilespmem:s3], [sflag:$0x3] =	stream.strided.gather [hbm4b:s7+s13], $0x2800, s14, s13, $0x38;
	[tilespmem:$0x1AC00] =	vst v63  }
0x17: {  	_ =	swait.ge [sflag:s12], $0x2800  }
0x18: {  	[sflag:s12] =	ssyncset.done $0x0  }
0x19: {  	[sflag:s12] =	ssyncadd.s32 $0xFFFFD800  }
0x1a: {  	[tilespmem:s15], [sflag:$0x3] =	stream.strided.gather [hbm4b:s8+s13], $0x2800, s14, s13, $0x38;
	[tilespmem:$0x1AC00] =	vst v63  }
0x1b: {  	_ =	swait.ge [sflag:s12], $0x2800  }
0x1c: {  	[sflag:s12] =	ssyncset.done $0x0  }
0x1d: {  	[sflag:s12] =	ssyncadd.s32 $0xFFFFD800  }
0x1e: {  	s20 =	simm.s32 $0x0;
	[bflag:$0x0] =	sbarrier.arrive $0xFFFF  }
0x1f: {  	[tilespmem:s17], [sflag:$0x1] =	stream.indirect.gather [hbm4b:s4+s16], $0x80, s20, s16, $0xb8;
	[tilespmem:$0x1AC00] =	vst v63  }
0x20: {  	_ =	swait.ge [sflag:s18], $0x2000  }
0x21: {  	[sflag:s18] =	ssyncset.done $0x0  }
0x22: {  	s31 =	simm.s32 $0x2800;
	[sflag:s18] =	ssyncadd.s32 $0xFFFFE000  }
0x23: {  	[spmem:s2] =	stream.indirect.scatter.add.f32 [tilespmem:s17], [sflag:$0x3], $0x80, s31, s16, $0xb8;
	[tilespmem:$0x1AC00] =	vst v63  }
0x24: {  	_ =	swait.ge [sflag:s12], $0x2000  }
0x25: {  	s21 =	simm.s32 $0x200;
	s20 =	simm.s32 $0x100;
	[sflag:s12] =	ssyncset.done $0x0  }
.LBB2_2:
0x26: {  	s22 =	sshra.s32 s20, $0x2  }
0x27: {  	[sflag:s12] =	ssyncadd.s32 $0xFFFFE000;
	s20 =	smov.u32 s21;
	s23 =	sadd.s32 $0x100, s21  }
0x28: {  	[tilespmem:s17], [sflag:$0x1] =	stream.indirect.gather [hbm4b:s4+s16], $0x80, s22, s16, $0xb8;
	[tilespmem:$0x1AC00] =	vst v63  }
0x29: {  	p0 =	sne.s32 s21, $0x9D00;
	_ =	swait.ge [sflag:s18], $0x2000  }
.Ltmp0:
0x2a: {  	[sflag:s18] =	ssyncset.done $0x0;
	(pc) =	sbr.rel @p0 .LBB2_2-.Ltmp0, $4  }
0x2b: {  	s21 =	sadd.s32 $0x2800, s22;
	[sflag:s18] =	ssyncadd.s32 $0xFFFFE000  }
0x2c: {  	[spmem:s2] =	stream.indirect.scatter.add.f32 [tilespmem:s17], [sflag:$0x3], $0x80, s21, s16, $0xb8;
	[tilespmem:$0x1AC00] =	vst v63  }
0x2d: {  	_ =	swait.ge [sflag:s12], $0x2000  }
0x2e: {  	s21 =	smov.u32 s23;
	[sflag:s12] =	ssyncset.done $0x0  }
0x2f: {  	s20 =	sshra.s32 s20, $0x2;
	[sflag:s12] =	ssyncadd.s32 $0xFFFFE000  }
0x30: {  	[tilespmem:s17], [sflag:$0x1] =	stream.indirect.gather [hbm4b:s4+s16], $0x80, s20, s16, $0xb8;
	[tilespmem:$0x1AC00] =	vst v63  }
0x31: {  	_ =	swait.ge [sflag:s18], $0x2000  }
0x32: {  	[sflag:s18] =	ssyncset.done $0x0  }
0x33: {  	s20 =	sadd.s32 $0x2800, s20;
	[sflag:s18] =	ssyncadd.s32 $0xFFFFE000  }
0x34: {  	[spmem:s2] =	stream.indirect.scatter.add.f32 [tilespmem:s17], [sflag:$0x3], $0x80, s20, s16, $0xb8;
	[tilespmem:$0x1AC00] =	vst v63  }
0x35: {  	_ =	swait.ge [sflag:s12], $0x2000  }
0x36: {  	s19 =	sadd.s32 $0x1, s19;
	[sflag:s12] =	ssyncset.done $0x0  }
0x37: {  	p0 =	sne.s32 s19, s10;
	[sflag:s12] =	ssyncadd.s32 $0xFFFFE000  }
.Ltmp1:
0x38: {  	[bflag:$0x0] =	sbarrier.arrive $0xFFFF;
	(pc) =	sbr.rel @p0 .LBB2_1-.Ltmp1, $4  }
0x39: {  	[hbm:s9], [sflag:s6] =	dma.local [spmem:s11], $0x2780  }
0x3a: {  	_ =	swait.ge [sflag:s12], $0x2780  }
0x3b: {  	[sflag:s12] =	ssyncset.done $0x0  }
0x3c: {  	[sflag:s12] =	ssyncadd.s32 $0xFFFFD880  }
0x3d: {  	_ =	sfence.sel $0x180000  }
0x3e: {  	[bflag:$0x0] =	sbarrier.arrive $0xFFFF  }
0x3f: {  	p0 =	sne.s32 s1, $0x0;
	_ =	strace $0x9000004A  }
0x40: {  	s0 =	sadd.s32 @!p0 $0x100000, s0;
	[bflag:$0x2] =	sbarrier.arrive $0xFFFF  }
0x41: {  	[sflag:s0] =	ssyncadd.tile.s32 @!p0 $0x1;
	_ =	shalt  }
.Lfunc_end2:
_tile_overlayer_lowered:
.L_overlay_start_2:
0x42: {  	(tag) =	ssettag $0x2  }
0x43: {  	s0 =	rddreg [dreg:$0x0];
	s2 =	stileid.u32  }
0x44: {  	s1 =	rddreg [dreg:$0x1];
	p0 =	sne.s32 s2, $0x0  }
0x45: {  	s3 =	rddreg [dreg:$0x2];
	[bflag:$0x3] =	sbarrier.arrive $0xFFFF;
	s2 =	simm.s32 @!p0 $0x1C03  }
0x46: {  	[timem:s3], [sflag:s2] =	dma.local @!p0 [hbm:s0], s1  }
0x47: {  	s0 =	simm.s32 @!p0 $0x3  }
0x48: {  	_ =	swait.ge @!p0 [sflag:s0], s1  }
0x49: {  	s1 =	ssub.s32 @!p0 $0x0, s1;
	[sflag:s0] =	ssyncset.done @!p0 $0x0  }
0x4a: {  	[sflag:s0] =	ssyncadd.s32 @!p0 s1  }
0x4b: {  	[bflag:$0x3] =	sbarrier.arrive $0xFFFF  }
0x4c: {  	_ =	shalt  }

</sc_bundles>
